<compile_context>
chip_gen: v7x
topology: tpu7x:2x2x1
jax: 0.10.2.dev20260603
libtpu: 0.0.44.dev20260713+nightly
codegen_flags: <defaults>
</compile_context>

<pallas_src>
import functools

import jax
import jax.numpy as jnp
from jax import lax
from jax.experimental import pallas as pl
from jax.experimental.pallas import tpu as pltpu
from jax.experimental.pallas import tpu_sc as plsc

_NUM_TASKS = 12
_TOKEN_DIM = 128
_BATCH = 16384
_NC = 2
_NS = 16
_NW = _NC * _NS
_BPW = _BATCH // _NW
_L = 16
_CHUNK = 128
_NCHUNK = _BPW // _CHUNK

_mesh = plsc.VectorSubcoreMesh(core_axis_name="c", subcore_axis_name="s")


@functools.partial(
    pl.kernel,
    out_type=jax.ShapeDtypeStruct((_BATCH, 1, _TOKEN_DIM), jnp.float32),
    mesh=_mesh,
    compiler_params=pltpu.CompilerParams(needs_layout_passes=False),
    scratch_types=[
        pltpu.VMEM((_BPW,), jnp.int32),
        pltpu.VMEM((_BPW,), jnp.int32),
        pltpu.VMEM((10, 3), jnp.int32),
        pltpu.VMEM((_NCHUNK, _CHUNK), jnp.int32),
        pltpu.VMEM_SHARED((_NUM_TASKS, 1, _TOKEN_DIM), jnp.float32),
        pltpu.VMEM((_NCHUNK, _CHUNK, 1, _TOKEN_DIM), jnp.float32),
        pltpu.SemaphoreType.DMA,
        pltpu.SemaphoreType.DMA,
        pltpu.SemaphoreType.DMA,
    ],
)
def _task_encoder_sc(tm_hbm, pn_hbm, emb_hbm, lut_hbm, out_hbm,
                     tm_v, pn_v, lut_v, idx_v, emb_v, buf_v,
                     gsem, osem, isem):
    wid = lax.axis_index("s") * _NC + lax.axis_index("c")
    base = wid * _BPW

    in_copies = [
        pltpu.async_copy(tm_hbm.at[pl.ds(base, _BPW)], tm_v, isem),
        pltpu.async_copy(pn_hbm.at[pl.ds(base, _BPW)], pn_v, isem),
        pltpu.async_copy(lut_hbm, lut_v, isem),
    ]
    sid = lax.axis_index("s")

    @pl.when(sid == 0)
    def _stage_table():
        pltpu.sync_copy(emb_hbm, emb_v)

    for c in in_copies:
        c.wait()

    for i in range(_BPW // _L):
        tm = tm_v[pl.ds(i * _L, _L)]
        pn = pn_v[pl.ds(i * _L, _L)]
        idx_v[i // 8, pl.ds((i % 8) * _L, _L)] = plsc.load_gather(lut_v, [tm, pn])

    plsc.subcore_barrier()

    gathers = [
        pltpu.async_copy(emb_v.at[idx_v.at[j]], buf_v.at[j], gsem)
        for j in range(_NCHUNK)
    ]
    out_copies = []
    for j in range(_NCHUNK):
        gathers[j].wait()
        out_copies.append(
            pltpu.async_copy(
                buf_v.at[j],
                out_hbm.at[pl.ds(base + j * _CHUNK, _CHUNK)],
                osem,
            )
        )
    for c in out_copies:
        c.wait()


def kernel(target_module, port_name, embedding, lookup):
    return _task_encoder_sc(
        target_module, port_name, embedding[:, None, :], lookup
    )

# --- scband reference (transcript-rebuilt; emitter-appended) ---
"""Pipeline reference for scband-task-encoder-601295421997 (READ-ONLY COPY).

The authoritative reference and input builder live on the scoring server;
editing this copy changes nothing except your own understanding.
"""

import jax, jax.numpy as jnp
import numpy as np

NUM_TARGET_MODULES = 10
NUM_PORT_NAMES = 3
NUM_TASKS = 12
TOKEN_DIM = 128
BATCH = 16384


def _make_lookup():
    lookup = np.full((NUM_TARGET_MODULES, NUM_PORT_NAMES), -1, dtype=np.int32)
    for m in range(5):
        lookup[m, 0] = m * 2
        lookup[m, 1] = m * 2 + 1
    lookup[5, 2] = 10
    lookup[6, 2] = 11
    return jnp.asarray(lookup)


def setup_inputs(seed: int = 0) -> dict:
    key = jax.random.key(seed)
    k1, k2, k3 = jax.random.split(key, 3)
    # valid (target_module, port_name) pairs: target_module in [0,5), port_name in [0,2)
    target_module = jax.random.randint(k1, (BATCH,), 0, 5)
    port_name = jax.random.randint(k2, (BATCH,), 0, 2)
    embedding = jax.random.normal(k3, (NUM_TASKS, TOKEN_DIM), dtype=jnp.float32)
    lookup = _make_lookup()
    return {
        "target_module": target_module,
        "port_name": port_name,
        "embedding": embedding,
        "lookup": lookup,
    }


def reference(target_module, port_name, embedding, lookup):
    # task_idx = self.lookup[target_module, port_name]
    task_idx = lookup[target_module, port_name]
    # (validity check omitted: inputs are constructed so task_idx >= 0 always)
    # self.embedding(task_idx).unsqueeze(1)
    out = jnp.take(embedding, task_idx, axis=0)
    return out[:, None, :]

if __name__ == "__main__":
    import jax
    _d = setup_inputs()
    print(jax.jit(kernel)(*tuple(_d.values())))

</pallas_src>

<mosaic_0001>
#map = affine_map<(d0, d1) -> (0)>
#map1 = affine_map<(d0, d1) -> (0, 0, 0)>
#map2 = affine_map<(d0, d1) -> (0, 0)>
module attributes {stable_mosaic.version = 14 : i64} {
  func.func @_task_encoder_sc(%arg0: i32, %arg1: i32, %arg2: memref<16384xi32, #tpu.memory_space<hbm>>, %arg3: memref<16384xi32, #tpu.memory_space<hbm>>, %arg4: memref<12x1x128xf32, #tpu.memory_space<hbm>>, %arg5: memref<10x3xi32, #tpu.memory_space<hbm>>, %arg6: memref<16384x1x128xf32, #tpu.memory_space<hbm>>, %arg7: memref<512xi32, #tpu.memory_space<vmem>>, %arg8: memref<512xi32, #tpu.memory_space<vmem>>, %arg9: memref<10x3xi32, #tpu.memory_space<vmem>>, %arg10: memref<4x128xi32, #tpu.memory_space<vmem>>, %arg11: memref<12x1x128xf32, #tpu.memory_space<vmem_shared>>, %arg12: memref<4x128x1x128xf32, #tpu.memory_space<vmem>>, %arg13: memref<!tpu.dma_semaphore, #tpu.memory_space<semaphore_mem>>, %arg14: memref<!tpu.dma_semaphore, #tpu.memory_space<semaphore_mem>>, %arg15: memref<!tpu.dma_semaphore, #tpu.memory_space<semaphore_mem>>) attributes {dimension_semantics = [#tpu.dimension_semantics<core_parallel>, #tpu.dimension_semantics<subcore_parallel>], iteration_bounds = array<i64: 2, 16>, scalar_prefetch = 0 : i64, scratch_operands = 9 : i64, tpu.core_type = #tpu.core_type<sc_vector_subcore>, window_params = [{transform_indices = #map}, {transform_indices = #map}, {transform_indices = #map1}, {transform_indices = #map2}, {transform_indices = #map1}]} {
    %mul3A = arith.constant 2 : i32
    %mul3A_0 = arith.muli %arg1, %mul3A : i32
    %add3A = arith.addi %mul3A_0, %arg0 : i32
    %mul3A_1 = arith.constant 512 : i32
    %mul3A_2 = arith.muli %add3A, %mul3A_1 : i32
    %dma_start3A = tpu.memref_slice %arg2[%mul3A_2] : memref<16384xi32, #tpu.memory_space<hbm>> -> memref<512xi32, #tpu.memory_space<hbm>>
    %dma_start3A_3 = tpu.memref_slice %arg2[%mul3A_2] : memref<16384xi32, #tpu.memory_space<hbm>> -> memref<512xi32, #tpu.memory_space<hbm>>
    tpu.enqueue_dma source(%dma_start3A_3 : memref<512xi32, #tpu.memory_space<hbm>>) target(%arg7 : memref<512xi32, #tpu.memory_space<vmem>>) target_semaphore(%arg15 : memref<!tpu.dma_semaphore, #tpu.memory_space<semaphore_mem>>)
    %dma_start3A_4 = tpu.memref_slice %arg3[%mul3A_2] : memref<16384xi32, #tpu.memory_space<hbm>> -> memref<512xi32, #tpu.memory_space<hbm>>
    %dma_start3A_5 = tpu.memref_slice %arg3[%mul3A_2] : memref<16384xi32, #tpu.memory_space<hbm>> -> memref<512xi32, #tpu.memory_space<hbm>>
    tpu.enqueue_dma source(%dma_start3A_5 : memref<512xi32, #tpu.memory_space<hbm>>) target(%arg8 : memref<512xi32, #tpu.memory_space<vmem>>) target_semaphore(%arg15 : memref<!tpu.dma_semaphore, #tpu.memory_space<semaphore_mem>>)
    tpu.enqueue_dma source(%arg5 : memref<10x3xi32, #tpu.memory_space<hbm>>) target(%arg9 : memref<10x3xi32, #tpu.memory_space<vmem>>) target_semaphore(%arg15 : memref<!tpu.dma_semaphore, #tpu.memory_space<semaphore_mem>>)
    %eq3A = arith.constant 0 : i32
    %eq3A_6 = arith.cmpi eq, %arg1, %eq3A : i32
    %convert_element_type3A = arith.extui %eq3A_6 : i1 to i32
    %cond3A = arith.constant 0 : i32
    %cond3A_7 = arith.cmpi ne, %convert_element_type3A, %cond3A : i32
    scf.if %cond3A_7 {
      "tpu.region"() ({
        %run_scoped3A = tpu.sem_alloc : memref<!tpu.dma_semaphore, #tpu.memory_space<semaphore_mem>>
        tpu.enqueue_dma source(%arg4 : memref<12x1x128xf32, #tpu.memory_space<hbm>>) target(%arg11 : memref<12x1x128xf32, #tpu.memory_space<vmem_shared>>) target_semaphore(%run_scoped3A : memref<!tpu.dma_semaphore, #tpu.memory_space<semaphore_mem>>)
        tpu.wait_dma2 semaphore(%run_scoped3A : memref<!tpu.dma_semaphore, #tpu.memory_space<semaphore_mem>>) src(%arg4 : memref<12x1x128xf32, #tpu.memory_space<hbm>>) dst(%arg11 : memref<12x1x128xf32, #tpu.memory_space<vmem_shared>>)
        tpu.yield
      }) : () -> ()
    } else {
    }
    %dma_wait3A = tpu.memref_slice %arg2[%mul3A_2] : memref<16384xi32, #tpu.memory_space<hbm>> -> memref<512xi32, #tpu.memory_space<hbm>>
    %dma_wait3A_8 = tpu.memref_slice %arg2[%mul3A_2] : memref<16384xi32, #tpu.memory_space<hbm>> -> memref<512xi32, #tpu.memory_space<hbm>>
    tpu.wait_dma2 semaphore(%arg15 : memref<!tpu.dma_semaphore, #tpu.memory_space<semaphore_mem>>) src(%dma_wait3A_8 : memref<512xi32, #tpu.memory_space<hbm>>) dst(%arg7 : memref<512xi32, #tpu.memory_space<vmem>>)
    %dma_wait3A_9 = tpu.memref_slice %arg3[%mul3A_2] : memref<16384xi32, #tpu.memory_space<hbm>> -> memref<512xi32, #tpu.memory_space<hbm>>
    %dma_wait3A_10 = tpu.memref_slice %arg3[%mul3A_2] : memref<16384xi32, #tpu.memory_space<hbm>> -> memref<512xi32, #tpu.memory_space<hbm>>
    tpu.wait_dma2 semaphore(%arg15 : memref<!tpu.dma_semaphore, #tpu.memory_space<semaphore_mem>>) src(%dma_wait3A_10 : memref<512xi32, #tpu.memory_space<hbm>>) dst(%arg8 : memref<512xi32, #tpu.memory_space<vmem>>)
    tpu.wait_dma2 semaphore(%arg15 : memref<!tpu.dma_semaphore, #tpu.memory_space<semaphore_mem>>) src(%arg5 : memref<10x3xi32, #tpu.memory_space<hbm>>) dst(%arg9 : memref<10x3xi32, #tpu.memory_space<vmem>>)
    %get3A = arith.constant 0 : index
    %get3A_11 = tpu.vector_load %arg7[%get3A] {strides = array<i32>} : memref<512xi32, #tpu.memory_space<vmem>>, vector<16xi32>,
    %get3A_12 = arith.constant 0 : index
    %get3A_13 = tpu.vector_load %arg8[%get3A_12] {strides = array<i32>} : memref<512xi32, #tpu.memory_space<vmem>>, vector<16xi32>,
    %gather3A = tpu.vector_load_idx %arg9[%get3A_11, %get3A_13] : memref<10x3xi32, #tpu.memory_space<vmem>>[vector<16xi32>, vector<16xi32>], vector<16xi32>,
    %swap3A = arith.constant 0 : i32
    %swap3A_14 = arith.index_cast %swap3A : i32 to index
    %swap3A_15 = arith.constant 0 : index
    %swap3A_16 = tpu.vector_load %arg10[%swap3A_14, %swap3A_15] {strides = array<i32>} : memref<4x128xi32, #tpu.memory_space<vmem>>, vector<16xi32>,
    tpu.vector_store %arg10[%swap3A_14, %swap3A_15], %gather3A {strides = array<i32>} : memref<4x128xi32, #tpu.memory_space<vmem>>, vector<16xi32>,
    %get3A_17 = arith.constant 16 : index
    %get3A_18 = tpu.vector_load %arg7[%get3A_17] {strides = array<i32>} : memref<512xi32, #tpu.memory_space<vmem>>, vector<16xi32>,
    %get3A_19 = arith.constant 16 : index
    %get3A_20 = tpu.vector_load %arg8[%get3A_19] {strides = array<i32>} : memref<512xi32, #tpu.memory_space<vmem>>, vector<16xi32>,
    %gather3A_21 = tpu.vector_load_idx %arg9[%get3A_18, %get3A_20] : memref<10x3xi32, #tpu.memory_space<vmem>>[vector<16xi32>, vector<16xi32>], vector<16xi32>,
    %swap3A_22 = arith.constant 0 : i32
    %swap3A_23 = arith.index_cast %swap3A_22 : i32 to index
    %swap3A_24 = arith.constant 16 : index
    %swap3A_25 = tpu.vector_load %arg10[%swap3A_23, %swap3A_24] {strides = array<i32>} : memref<4x128xi32, #tpu.memory_space<vmem>>, vector<16xi32>,
    tpu.vector_store %arg10[%swap3A_23, %swap3A_24], %gather3A_21 {strides = array<i32>} : memref<4x128xi32, #tpu.memory_space<vmem>>, vector<16xi32>,
    %get3A_26 = arith.constant 32 : index
    %get3A_27 = tpu.vector_load %arg7[%get3A_26] {strides = array<i32>} : memref<512xi32, #tpu.memory_space<vmem>>, vector<16xi32>,
    %get3A_28 = arith.constant 32 : index
    %get3A_29 = tpu.vector_load %arg8[%get3A_28] {strides = array<i32>} : memref<512xi32, #tpu.memory_space<vmem>>, vector<16xi32>,
    %gather3A_30 = tpu.vector_load_idx %arg9[%get3A_27, %get3A_29] : memref<10x3xi32, #tpu.memory_space<vmem>>[vector<16xi32>, vector<16xi32>], vector<16xi32>,
    %swap3A_31 = arith.constant 0 : i32
    %swap3A_32 = arith.index_cast %swap3A_31 : i32 to index
    %swap3A_33 = arith.constant 32 : index
    %swap3A_34 = tpu.vector_load %arg10[%swap3A_32, %swap3A_33] {strides = array<i32>} : memref<4x128xi32, #tpu.memory_space<vmem>>, vector<16xi32>,
    tpu.vector_store %arg10[%swap3A_32, %swap3A_33], %gather3A_30 {strides = array<i32>} : memref<4x128xi32, #tpu.memory_space<vmem>>, vector<16xi32>,
    %get3A_35 = arith.constant 48 : index
    %get3A_36 = tpu.vector_load %arg7[%get3A_35] {strides = array<i32>} : memref<512xi32, #tpu.memory_space<vmem>>, vector<16xi32>,
    %get3A_37 = arith.constant 48 : index
    %get3A_38 = tpu.vector_load %arg8[%get3A_37] {strides = array<i32>} : memref<512xi32, #tpu.memory_space<vmem>>, vector<16xi32>,
    %gather3A_39 = tpu.vector_load_idx %arg9[%get3A_36, %get3A_38] : memref<10x3xi32, #tpu.memory_space<vmem>>[vector<16xi32>, vector<16xi32>], vector<16xi32>,
    %swap3A_40 = arith.constant 0 : i32
    %swap3A_41 = arith.index_cast %swap3A_40 : i32 to index
    %swap3A_42 = arith.constant 48 : index
    %swap3A_43 = tpu.vector_load %arg10[%swap3A_41, %swap3A_42] {strides = array<i32>} : memref<4x128xi32, #tpu.memory_space<vmem>>, vector<16xi32>,
    tpu.vector_store %arg10[%swap3A_41, %swap3A_42], %gather3A_39 {strides = array<i32>} : memref<4x128xi32, #tpu.memory_space<vmem>>, vector<16xi32>,
    %get3A_44 = arith.constant 64 : index
    %get3A_45 = tpu.vector_load %arg7[%get3A_44] {strides = array<i32>} : memref<512xi32, #tpu.memory_space<vmem>>, vector<16xi32>,
    %get3A_46 = arith.constant 64 : index
    %get3A_47 = tpu.vector_load %arg8[%get3A_46] {strides = array<i32>} : memref<512xi32, #tpu.memory_space<vmem>>, vector<16xi32>,
    %gather3A_48 = tpu.vector_load_idx %arg9[%get3A_45, %get3A_47] : memref<10x3xi32, #tpu.memory_space<vmem>>[vector<16xi32>, vector<16xi32>], vector<16xi32>,
    %swap3A_49 = arith.constant 0 : i32
    %swap3A_50 = arith.index_cast %swap3A_49 : i32 to index
    %swap3A_51 = arith.constant 64 : index
    %swap3A_52 = tpu.vector_load %arg10[%swap3A_50, %swap3A_51] {strides = array<i32>} : memref<4x128xi32, #tpu.memory_space<vmem>>, vector<16xi32>,
    tpu.vector_store %arg10[%swap3A_50, %swap3A_51], %gather3A_48 {strides = array<i32>} : memref<4x128xi32, #tpu.memory_space<vmem>>, vector<16xi32>,
    %get3A_53 = arith.constant 80 : index
    %get3A_54 = tpu.vector_load %arg7[%get3A_53] {strides = array<i32>} : memref<512xi32, #tpu.memory_space<vmem>>, vector<16xi32>,
    %get3A_55 = arith.constant 80 : index
    %get3A_56 = tpu.vector_load %arg8[%get3A_55] {strides = array<i32>} : memref<512xi32, #tpu.memory_space<vmem>>, vector<16xi32>,
    %gather3A_57 = tpu.vector_load_idx %arg9[%get3A_54, %get3A_56] : memref<10x3xi32, #tpu.memory_space<vmem>>[vector<16xi32>, vector<16xi32>], vector<16xi32>,
    %swap3A_58 = arith.constant 0 : i32
    %swap3A_59 = arith.index_cast %swap3A_58 : i32 to index
    %swap3A_60 = arith.constant 80 : index
    %swap3A_61 = tpu.vector_load %arg10[%swap3A_59, %swap3A_60] {strides = array<i32>} : memref<4x128xi32, #tpu.memory_space<vmem>>, vector<16xi32>,
    tpu.vector_store %arg10[%swap3A_59, %swap3A_60], %gather3A_57 {strides = array<i32>} : memref<4x128xi32, #tpu.memory_space<vmem>>, vector<16xi32>,
    %get3A_62 = arith.constant 96 : index
    %get3A_63 = tpu.vector_load %arg7[%get3A_62] {strides = array<i32>} : memref<512xi32, #tpu.memory_space<vmem>>, vector<16xi32>,
    %get3A_64 = arith.constant 96 : index
    %get3A_65 = tpu.vector_load %arg8[%get3A_64] {strides = array<i32>} : memref<512xi32, #tpu.memory_space<vmem>>, vector<16xi32>,
    %gather3A_66 = tpu.vector_load_idx %arg9[%get3A_63, %get3A_65] : memref<10x3xi32, #tpu.memory_space<vmem>>[vector<16xi32>, vector<16xi32>], vector<16xi32>,
    %swap3A_67 = arith.constant 0 : i32
    %swap3A_68 = arith.index_cast %swap3A_67 : i32 to index
    %swap3A_69 = arith.constant 96 : index
    %swap3A_70 = tpu.vector_load %arg10[%swap3A_68, %swap3A_69] {strides = array<i32>} : memref<4x128xi32, #tpu.memory_space<vmem>>, vector<16xi32>,
    tpu.vector_store %arg10[%swap3A_68, %swap3A_69], %gather3A_66 {strides = array<i32>} : memref<4x128xi32, #tpu.memory_space<vmem>>, vector<16xi32>,
    %get3A_71 = arith.constant 112 : index
    %get3A_72 = tpu.vector_load %arg7[%get3A_71] {strides = array<i32>} : memref<512xi32, #tpu.memory_space<vmem>>, vector<16xi32>,
    %get3A_73 = arith.constant 112 : index
    %get3A_74 = tpu.vector_load %arg8[%get3A_73] {strides = array<i32>} : memref<512xi32, #tpu.memory_space<vmem>>, vector<16xi32>,
    %gather3A_75 = tpu.vector_load_idx %arg9[%get3A_72, %get3A_74] : memref<10x3xi32, #tpu.memory_space<vmem>>[vector<16xi32>, vector<16xi32>], vector<16xi32>,
    %swap3A_76 = arith.constant 0 : i32
    %swap3A_77 = arith.index_cast %swap3A_76 : i32 to index
    %swap3A_78 = arith.constant 112 : index
    %swap3A_79 = tpu.vector_load %arg10[%swap3A_77, %swap3A_78] {strides = array<i32>} : memref<4x128xi32, #tpu.memory_space<vmem>>, vector<16xi32>,
    tpu.vector_store %arg10[%swap3A_77, %swap3A_78], %gather3A_75 {strides = array<i32>} : memref<4x128xi32, #tpu.memory_space<vmem>>, vector<16xi32>,
    %get3A_80 = arith.constant 128 : index
    %get3A_81 = tpu.vector_load %arg7[%get3A_80] {strides = array<i32>} : memref<512xi32, #tpu.memory_space<vmem>>, vector<16xi32>,
    %get3A_82 = arith.constant 128 : index
    %get3A_83 = tpu.vector_load %arg8[%get3A_82] {strides = array<i32>} : memref<512xi32, #tpu.memory_space<vmem>>, vector<16xi32>,
    %gather3A_84 = tpu.vector_load_idx %arg9[%get3A_81, %get3A_83] : memref<10x3xi32, #tpu.memory_space<vmem>>[vector<16xi32>, vector<16xi32>], vector<16xi32>,
    %swap3A_85 = arith.constant 1 : i32
    %swap3A_86 = arith.index_cast %swap3A_85 : i32 to index
    %swap3A_87 = arith.constant 0 : index
    %swap3A_88 = tpu.vector_load %arg10[%swap3A_86, %swap3A_87] {strides = array<i32>} : memref<4x128xi32, #tpu.memory_space<vmem>>, vector<16xi32>,
    tpu.vector_store %arg10[%swap3A_86, %swap3A_87], %gather3A_84 {strides = array<i32>} : memref<4x128xi32, #tpu.memory_space<vmem>>, vector<16xi32>,
    %get3A_89 = arith.constant 144 : index
    %get3A_90 = tpu.vector_load %arg7[%get3A_89] {strides = array<i32>} : memref<512xi32, #tpu.memory_space<vmem>>, vector<16xi32>,
    %get3A_91 = arith.constant 144 : index
    %get3A_92 = tpu.vector_load %arg8[%get3A_91] {strides = array<i32>} : memref<512xi32, #tpu.memory_space<vmem>>, vector<16xi32>,
    %gather3A_93 = tpu.vector_load_idx %arg9[%get3A_90, %get3A_92] : memref<10x3xi32, #tpu.memory_space<vmem>>[vector<16xi32>, vector<16xi32>], vector<16xi32>,
    %swap3A_94 = arith.constant 1 : i32
    %swap3A_95 = arith.index_cast %swap3A_94 : i32 to index
    %swap3A_96 = arith.constant 16 : index
    %swap3A_97 = tpu.vector_load %arg10[%swap3A_95, %swap3A_96] {strides = array<i32>} : memref<4x128xi32, #tpu.memory_space<vmem>>, vector<16xi32>,
    tpu.vector_store %arg10[%swap3A_95, %swap3A_96], %gather3A_93 {strides = array<i32>} : memref<4x128xi32, #tpu.memory_space<vmem>>, vector<16xi32>,
    %get3A_98 = arith.constant 160 : index
    %get3A_99 = tpu.vector_load %arg7[%get3A_98] {strides = array<i32>} : memref<512xi32, #tpu.memory_space<vmem>>, vector<16xi32>,
    %get3A_100 = arith.constant 160 : index
    %get3A_101 = tpu.vector_load %arg8[%get3A_100] {strides = array<i32>} : memref<512xi32, #tpu.memory_space<vmem>>, vector<16xi32>,
    %gather3A_102 = tpu.vector_load_idx %arg9[%get3A_99, %get3A_101] : memref<10x3xi32, #tpu.memory_space<vmem>>[vector<16xi32>, vector<16xi32>], vector<16xi32>,
    %swap3A_103 = arith.constant 1 : i32
    %swap3A_104 = arith.index_cast %swap3A_103 : i32 to index
    %swap3A_105 = arith.constant 32 : index
    %swap3A_106 = tpu.vector_load %arg10[%swap3A_104, %swap3A_105] {strides = array<i32>} : memref<4x128xi32, #tpu.memory_space<vmem>>, vector<16xi32>,
    tpu.vector_store %arg10[%swap3A_104, %swap3A_105], %gather3A_102 {strides = array<i32>} : memref<4x128xi32, #tpu.memory_space<vmem>>, vector<16xi32>,
    %get3A_107 = arith.constant 176 : index
    %get3A_108 = tpu.vector_load %arg7[%get3A_107] {strides = array<i32>} : memref<512xi32, #tpu.memory_space<vmem>>, vector<16xi32>,
    %get3A_109 = arith.constant 176 : index
    %get3A_110 = tpu.vector_load %arg8[%get3A_109] {strides = array<i32>} : memref<512xi32, #tpu.memory_space<vmem>>, vector<16xi32>,
    %gather3A_111 = tpu.vector_load_idx %arg9[%get3A_108, %get3A_110] : memref<10x3xi32, #tpu.memory_space<vmem>>[vector<16xi32>, vector<16xi32>], vector<16xi32>,
    %swap3A_112 = arith.constant 1 : i32
    %swap3A_113 = arith.index_cast %swap3A_112 : i32 to index
    %swap3A_114 = arith.constant 48 : index
    %swap3A_115 = tpu.vector_load %arg10[%swap3A_113, %swap3A_114] {strides = array<i32>} : memref<4x128xi32, #tpu.memory_space<vmem>>, vector<16xi32>,
    tpu.vector_store %arg10[%swap3A_113, %swap3A_114], %gather3A_111 {strides = array<i32>} : memref<4x128xi32, #tpu.memory_space<vmem>>, vector<16xi32>,
    %get3A_116 = arith.constant 192 : index
    %get3A_117 = tpu.vector_load %arg7[%get3A_116] {strides = array<i32>} : memref<512xi32, #tpu.memory_space<vmem>>, vector<16xi32>,
    %get3A_118 = arith.constant 192 : index
    %get3A_119 = tpu.vector_load %arg8[%get3A_118] {strides = array<i32>} : memref<512xi32, #tpu.memory_space<vmem>>, vector<16xi32>,
    %gather3A_120 = tpu.vector_load_idx %arg9[%get3A_117, %get3A_119] : memref<10x3xi32, #tpu.memory_space<vmem>>[vector<16xi32>, vector<16xi32>], vector<16xi32>,
    %swap3A_121 = arith.constant 1 : i32
    %swap3A_122 = arith.index_cast %swap3A_121 : i32 to index
    %swap3A_123 = arith.constant 64 : index
    %swap3A_124 = tpu.vector_load %arg10[%swap3A_122, %swap3A_123] {strides = array<i32>} : memref<4x128xi32, #tpu.memory_space<vmem>>, vector<16xi32>,
    tpu.vector_store %arg10[%swap3A_122, %swap3A_123], %gather3A_120 {strides = array<i32>} : memref<4x128xi32, #tpu.memory_space<vmem>>, vector<16xi32>,
    %get3A_125 = arith.constant 208 : index
    %get3A_126 = tpu.vector_load %arg7[%get3A_125] {strides = array<i32>} : memref<512xi32, #tpu.memory_space<vmem>>, vector<16xi32>,
    %get3A_127 = arith.constant 208 : index
    %get3A_128 = tpu.vector_load %arg8[%get3A_127] {strides = array<i32>} : memref<512xi32, #tpu.memory_space<vmem>>, vector<16xi32>,
    %gather3A_129 = tpu.vector_load_idx %arg9[%get3A_126, %get3A_128] : memref<10x3xi32, #tpu.memory_space<vmem>>[vector<16xi32>, vector<16xi32>], vector<16xi32>,
    %swap3A_130 = arith.constant 1 : i32
    %swap3A_131 = arith.index_cast %swap3A_130 : i32 to index
    %swap3A_132 = arith.constant 80 : index
    %swap3A_133 = tpu.vector_load %arg10[%swap3A_131, %swap3A_132] {strides = array<i32>} : memref<4x128xi32, #tpu.memory_space<vmem>>, vector<16xi32>,
    tpu.vector_store %arg10[%swap3A_131, %swap3A_132], %gather3A_129 {strides = array<i32>} : memref<4x128xi32, #tpu.memory_space<vmem>>, vector<16xi32>,
    %get3A_134 = arith.constant 224 : index
    %get3A_135 = tpu.vector_load %arg7[%get3A_134] {strides = array<i32>} : memref<512xi32, #tpu.memory_space<vmem>>, vector<16xi32>,
    %get3A_136 = arith.constant 224 : index
    %get3A_137 = tpu.vector_load %arg8[%get3A_136] {strides = array<i32>} : memref<512xi32, #tpu.memory_space<vmem>>, vector<16xi32>,
    %gather3A_138 = tpu.vector_load_idx %arg9[%get3A_135, %get3A_137] : memref<10x3xi32, #tpu.memory_space<vmem>>[vector<16xi32>, vector<16xi32>], vector<16xi32>,
    %swap3A_139 = arith.constant 1 : i32
    %swap3A_140 = arith.index_cast %swap3A_139 : i32 to index
    %swap3A_141 = arith.constant 96 : index
    %swap3A_142 = tpu.vector_load %arg10[%swap3A_140, %swap3A_141] {strides = array<i32>} : memref<4x128xi32, #tpu.memory_space<vmem>>, vector<16xi32>,
    tpu.vector_store %arg10[%swap3A_140, %swap3A_141], %gather3A_138 {strides = array<i32>} : memref<4x128xi32, #tpu.memory_space<vmem>>, vector<16xi32>,
    %get3A_143 = arith.constant 240 : index
    %get3A_144 = tpu.vector_load %arg7[%get3A_143] {strides = array<i32>} : memref<512xi32, #tpu.memory_space<vmem>>, vector<16xi32>,
    %get3A_145 = arith.constant 240 : index
    %get3A_146 = tpu.vector_load %arg8[%get3A_145] {strides = array<i32>} : memref<512xi32, #tpu.memory_space<vmem>>, vector<16xi32>,
    %gather3A_147 = tpu.vector_load_idx %arg9[%get3A_144, %get3A_146] : memref<10x3xi32, #tpu.memory_space<vmem>>[vector<16xi32>, vector<16xi32>], vector<16xi32>,
    %swap3A_148 = arith.constant 1 : i32
    %swap3A_149 = arith.index_cast %swap3A_148 : i32 to index
    %swap3A_150 = arith.constant 112 : index
    %swap3A_151 = tpu.vector_load %arg10[%swap3A_149, %swap3A_150] {strides = array<i32>} : memref<4x128xi32, #tpu.memory_space<vmem>>, vector<16xi32>,
    tpu.vector_store %arg10[%swap3A_149, %swap3A_150], %gather3A_147 {strides = array<i32>} : memref<4x128xi32, #tpu.memory_space<vmem>>, vector<16xi32>,
    %get3A_152 = arith.constant 256 : index
    %get3A_153 = tpu.vector_load %arg7[%get3A_152] {strides = array<i32>} : memref<512xi32, #tpu.memory_space<vmem>>, vector<16xi32>,
    %get3A_154 = arith.constant 256 : index
    %get3A_155 = tpu.vector_load %arg8[%get3A_154] {strides = array<i32>} : memref<512xi32, #tpu.memory_space<vmem>>, vector<16xi32>,
    %gather3A_156 = tpu.vector_load_idx %arg9[%get3A_153, %get3A_155] : memref<10x3xi32, #tpu.memory_space<vmem>>[vector<16xi32>, vector<16xi32>], vector<16xi32>,
    %swap3A_157 = arith.constant 2 : i32
    %swap3A_158 = arith.index_cast %swap3A_157 : i32 to index
    %swap3A_159 = arith.constant 0 : index
    %swap3A_160 = tpu.vector_load %arg10[%swap3A_158, %swap3A_159] {strides = array<i32>} : memref<4x128xi32, #tpu.memory_space<vmem>>, vector<16xi32>,
    tpu.vector_store %arg10[%swap3A_158, %swap3A_159], %gather3A_156 {strides = array<i32>} : memref<4x128xi32, #tpu.memory_space<vmem>>, vector<16xi32>,
    %get3A_161 = arith.constant 272 : index
    %get3A_162 = tpu.vector_load %arg7[%get3A_161] {strides = array<i32>} : memref<512xi32, #tpu.memory_space<vmem>>, vector<16xi32>,
    %get3A_163 = arith.constant 272 : index
    %get3A_164 = tpu.vector_load %arg8[%get3A_163] {strides = array<i32>} : memref<512xi32, #tpu.memory_space<vmem>>, vector<16xi32>,
    %gather3A_165 = tpu.vector_load_idx %arg9[%get3A_162, %get3A_164] : memref<10x3xi32, #tpu.memory_space<vmem>>[vector<16xi32>, vector<16xi32>], vector<16xi32>,
    %swap3A_166 = arith.constant 2 : i32
    %swap3A_167 = arith.index_cast %swap3A_166 : i32 to index
    %swap3A_168 = arith.constant 16 : index
    %swap3A_169 = tpu.vector_load %arg10[%swap3A_167, %swap3A_168] {strides = array<i32>} : memref<4x128xi32, #tpu.memory_space<vmem>>, vector<16xi32>,
    tpu.vector_store %arg10[%swap3A_167, %swap3A_168], %gather3A_165 {strides = array<i32>} : memref<4x128xi32, #tpu.memory_space<vmem>>, vector<16xi32>,
    %get3A_170 = arith.constant 288 : index
    %get3A_171 = tpu.vector_load %arg7[%get3A_170] {strides = array<i32>} : memref<512xi32, #tpu.memory_space<vmem>>, vector<16xi32>,
    %get3A_172 = arith.constant 288 : index
    %get3A_173 = tpu.vector_load %arg8[%get3A_172] {strides = array<i32>} : memref<512xi32, #tpu.memory_space<vmem>>, vector<16xi32>,
    %gather3A_174 = tpu.vector_load_idx %arg9[%get3A_171, %get3A_173] : memref<10x3xi32, #tpu.memory_space<vmem>>[vector<16xi32>, vector<16xi32>], vector<16xi32>,
    %swap3A_175 = arith.constant 2 : i32
    %swap3A_176 = arith.index_cast %swap3A_175 : i32 to index
    %swap3A_177 = arith.constant 32 : index
    %swap3A_178 = tpu.vector_load %arg10[%swap3A_176, %swap3A_177] {strides = array<i32>} : memref<4x128xi32, #tpu.memory_space<vmem>>, vector<16xi32>,
    tpu.vector_store %arg10[%swap3A_176, %swap3A_177], %gather3A_174 {strides = array<i32>} : memref<4x128xi32, #tpu.memory_space<vmem>>, vector<16xi32>,
    %get3A_179 = arith.constant 304 : index
    %get3A_180 = tpu.vector_load %arg7[%get3A_179] {strides = array<i32>} : memref<512xi32, #tpu.memory_space<vmem>>, vector<16xi32>,
    %get3A_181 = arith.constant 304 : index
    %get3A_182 = tpu.vector_load %arg8[%get3A_181] {strides = array<i32>} : memref<512xi32, #tpu.memory_space<vmem>>, vector<16xi32>,
    %gather3A_183 = tpu.vector_load_idx %arg9[%get3A_180, %get3A_182] : memref<10x3xi32, #tpu.memory_space<vmem>>[vector<16xi32>, vector<16xi32>], vector<16xi32>,
    %swap3A_184 = arith.constant 2 : i32
    %swap3A_185 = arith.index_cast %swap3A_184 : i32 to index
    %swap3A_186 = arith.constant 48 : index
    %swap3A_187 = tpu.vector_load %arg10[%swap3A_185, %swap3A_186] {strides = array<i32>} : memref<4x128xi32, #tpu.memory_space<vmem>>, vector<16xi32>,
    tpu.vector_store %arg10[%swap3A_185, %swap3A_186], %gather3A_183 {strides = array<i32>} : memref<4x128xi32, #tpu.memory_space<vmem>>, vector<16xi32>,
    %get3A_188 = arith.constant 320 : index
    %get3A_189 = tpu.vector_load %arg7[%get3A_188] {strides = array<i32>} : memref<512xi32, #tpu.memory_space<vmem>>, vector<16xi32>,
    %get3A_190 = arith.constant 320 : index
    %get3A_191 = tpu.vector_load %arg8[%get3A_190] {strides = array<i32>} : memref<512xi32, #tpu.memory_space<vmem>>, vector<16xi32>,
    %gather3A_192 = tpu.vector_load_idx %arg9[%get3A_189, %get3A_191] : memref<10x3xi32, #tpu.memory_space<vmem>>[vector<16xi32>, vector<16xi32>], vector<16xi32>,
    %swap3A_193 = arith.constant 2 : i32
    %swap3A_194 = arith.index_cast %swap3A_193 : i32 to index
    %swap3A_195 = arith.constant 64 : index
    %swap3A_196 = tpu.vector_load %arg10[%swap3A_194, %swap3A_195] {strides = array<i32>} : memref<4x128xi32, #tpu.memory_space<vmem>>, vector<16xi32>,
    tpu.vector_store %arg10[%swap3A_194, %swap3A_195], %gather3A_192 {strides = array<i32>} : memref<4x128xi32, #tpu.memory_space<vmem>>, vector<16xi32>,
    %get3A_197 = arith.constant 336 : index
    %get3A_198 = tpu.vector_load %arg7[%get3A_197] {strides = array<i32>} : memref<512xi32, #tpu.memory_space<vmem>>, vector<16xi32>,
    %get3A_199 = arith.constant 336 : index
    %get3A_200 = tpu.vector_load %arg8[%get3A_199] {strides = array<i32>} : memref<512xi32, #tpu.memory_space<vmem>>, vector<16xi32>,
    %gather3A_201 = tpu.vector_load_idx %arg9[%get3A_198, %get3A_200] : memref<10x3xi32, #tpu.memory_space<vmem>>[vector<16xi32>, vector<16xi32>], vector<16xi32>,
    %swap3A_202 = arith.constant 2 : i32
    %swap3A_203 = arith.index_cast %swap3A_202 : i32 to index
    %swap3A_204 = arith.constant 80 : index
    %swap3A_205 = tpu.vector_load %arg10[%swap3A_203, %swap3A_204] {strides = array<i32>} : memref<4x128xi32, #tpu.memory_space<vmem>>, vector<16xi32>,
    tpu.vector_store %arg10[%swap3A_203, %swap3A_204], %gather3A_201 {strides = array<i32>} : memref<4x128xi32, #tpu.memory_space<vmem>>, vector<16xi32>,
    %get3A_206 = arith.constant 352 : index
    %get3A_207 = tpu.vector_load %arg7[%get3A_206] {strides = array<i32>} : memref<512xi32, #tpu.memory_space<vmem>>, vector<16xi32>,
    %get3A_208 = arith.constant 352 : index
    %get3A_209 = tpu.vector_load %arg8[%get3A_208] {strides = array<i32>} : memref<512xi32, #tpu.memory_space<vmem>>, vector<16xi32>,
    %gather3A_210 = tpu.vector_load_idx %arg9[%get3A_207, %get3A_209] : memref<10x3xi32, #tpu.memory_space<vmem>>[vector<16xi32>, vector<16xi32>], vector<16xi32>,
    %swap3A_211 = arith.constant 2 : i32
    %swap3A_212 = arith.index_cast %swap3A_211 : i32 to index
    %swap3A_213 = arith.constant 96 : index
    %swap3A_214 = tpu.vector_load %arg10[%swap3A_212, %swap3A_213] {strides = array<i32>} : memref<4x128xi32, #tpu.memory_space<vmem>>, vector<16xi32>,
    tpu.vector_store %arg10[%swap3A_212, %swap3A_213], %gather3A_210 {strides = array<i32>} : memref<4x128xi32, #tpu.memory_space<vmem>>, vector<16xi32>,
    %get3A_215 = arith.constant 368 : index
    %get3A_216 = tpu.vector_load %arg7[%get3A_215] {strides = array<i32>} : memref<512xi32, #tpu.memory_space<vmem>>, vector<16xi32>,
    %get3A_217 = arith.constant 368 : index
    %get3A_218 = tpu.vector_load %arg8[%get3A_217] {strides = array<i32>} : memref<512xi32, #tpu.memory_space<vmem>>, vector<16xi32>,
    %gather3A_219 = tpu.vector_load_idx %arg9[%get3A_216, %get3A_218] : memref<10x3xi32, #tpu.memory_space<vmem>>[vector<16xi32>, vector<16xi32>], vector<16xi32>,
    %swap3A_220 = arith.constant 2 : i32
    %swap3A_221 = arith.index_cast %swap3A_220 : i32 to index
    %swap3A_222 = arith.constant 112 : index
    %swap3A_223 = tpu.vector_load %arg10[%swap3A_221, %swap3A_222] {strides = array<i32>} : memref<4x128xi32, #tpu.memory_space<vmem>>, vector<16xi32>,
    tpu.vector_store %arg10[%swap3A_221, %swap3A_222], %gather3A_219 {strides = array<i32>} : memref<4x128xi32, #tpu.memory_space<vmem>>, vector<16xi32>,
    %get3A_224 = arith.constant 384 : index
    %get3A_225 = tpu.vector_load %arg7[%get3A_224] {strides = array<i32>} : memref<512xi32, #tpu.memory_space<vmem>>, vector<16xi32>,
    %get3A_226 = arith.constant 384 : index
    %get3A_227 = tpu.vector_load %arg8[%get3A_226] {strides = array<i32>} : memref<512xi32, #tpu.memory_space<vmem>>, vector<16xi32>,
    %gather3A_228 = tpu.vector_load_idx %arg9[%get3A_225, %get3A_227] : memref<10x3xi32, #tpu.memory_space<vmem>>[vector<16xi32>, vector<16xi32>], vector<16xi32>,
    %swap3A_229 = arith.constant 3 : i32
    %swap3A_230 = arith.index_cast %swap3A_229 : i32 to index
    %swap3A_231 = arith.constant 0 : index
    %swap3A_232 = tpu.vector_load %arg10[%swap3A_230, %swap3A_231] {strides = array<i32>} : memref<4x128xi32, #tpu.memory_space<vmem>>, vector<16xi32>,
    tpu.vector_store %arg10[%swap3A_230, %swap3A_231], %gather3A_228 {strides = array<i32>} : memref<4x128xi32, #tpu.memory_space<vmem>>, vector<16xi32>,
    %get3A_233 = arith.constant 400 : index
    %get3A_234 = tpu.vector_load %arg7[%get3A_233] {strides = array<i32>} : memref<512xi32, #tpu.memory_space<vmem>>, vector<16xi32>,
    %get3A_235 = arith.constant 400 : index
    %get3A_236 = tpu.vector_load %arg8[%get3A_235] {strides = array<i32>} : memref<512xi32, #tpu.memory_space<vmem>>, vector<16xi32>,
    %gather3A_237 = tpu.vector_load_idx %arg9[%get3A_234, %get3A_236] : memref<10x3xi32, #tpu.memory_space<vmem>>[vector<16xi32>, vector<16xi32>], vector<16xi32>,
    %swap3A_238 = arith.constant 3 : i32
    %swap3A_239 = arith.index_cast %swap3A_238 : i32 to index
    %swap3A_240 = arith.constant 16 : index
    %swap3A_241 = tpu.vector_load %arg10[%swap3A_239, %swap3A_240] {strides = array<i32>} : memref<4x128xi32, #tpu.memory_space<vmem>>, vector<16xi32>,
    tpu.vector_store %arg10[%swap3A_239, %swap3A_240], %gather3A_237 {strides = array<i32>} : memref<4x128xi32, #tpu.memory_space<vmem>>, vector<16xi32>,
    %get3A_242 = arith.constant 416 : index
    %get3A_243 = tpu.vector_load %arg7[%get3A_242] {strides = array<i32>} : memref<512xi32, #tpu.memory_space<vmem>>, vector<16xi32>,
    %get3A_244 = arith.constant 416 : index
    %get3A_245 = tpu.vector_load %arg8[%get3A_244] {strides = array<i32>} : memref<512xi32, #tpu.memory_space<vmem>>, vector<16xi32>,
    %gather3A_246 = tpu.vector_load_idx %arg9[%get3A_243, %get3A_245] : memref<10x3xi32, #tpu.memory_space<vmem>>[vector<16xi32>, vector<16xi32>], vector<16xi32>,
    %swap3A_247 = arith.constant 3 : i32
    %swap3A_248 = arith.index_cast %swap3A_247 : i32 to index
    %swap3A_249 = arith.constant 32 : index
    %swap3A_250 = tpu.vector_load %arg10[%swap3A_248, %swap3A_249] {strides = array<i32>} : memref<4x128xi32, #tpu.memory_space<vmem>>, vector<16xi32>,
    tpu.vector_store %arg10[%swap3A_248, %swap3A_249], %gather3A_246 {strides = array<i32>} : memref<4x128xi32, #tpu.memory_space<vmem>>, vector<16xi32>,
    %get3A_251 = arith.constant 432 : index
    %get3A_252 = tpu.vector_load %arg7[%get3A_251] {strides = array<i32>} : memref<512xi32, #tpu.memory_space<vmem>>, vector<16xi32>,
    %get3A_253 = arith.constant 432 : index
    %get3A_254 = tpu.vector_load %arg8[%get3A_253] {strides = array<i32>} : memref<512xi32, #tpu.memory_space<vmem>>, vector<16xi32>,
    %gather3A_255 = tpu.vector_load_idx %arg9[%get3A_252, %get3A_254] : memref<10x3xi32, #tpu.memory_space<vmem>>[vector<16xi32>, vector<16xi32>], vector<16xi32>,
    %swap3A_256 = arith.constant 3 : i32
    %swap3A_257 = arith.index_cast %swap3A_256 : i32 to index
    %swap3A_258 = arith.constant 48 : index
    %swap3A_259 = tpu.vector_load %arg10[%swap3A_257, %swap3A_258] {strides = array<i32>} : memref<4x128xi32, #tpu.memory_space<vmem>>, vector<16xi32>,
    tpu.vector_store %arg10[%swap3A_257, %swap3A_258], %gather3A_255 {strides = array<i32>} : memref<4x128xi32, #tpu.memory_space<vmem>>, vector<16xi32>,
    %get3A_260 = arith.constant 448 : index
    %get3A_261 = tpu.vector_load %arg7[%get3A_260] {strides = array<i32>} : memref<512xi32, #tpu.memory_space<vmem>>, vector<16xi32>,
    %get3A_262 = arith.constant 448 : index
    %get3A_263 = tpu.vector_load %arg8[%get3A_262] {strides = array<i32>} : memref<512xi32, #tpu.memory_space<vmem>>, vector<16xi32>,
    %gather3A_264 = tpu.vector_load_idx %arg9[%get3A_261, %get3A_263] : memref<10x3xi32, #tpu.memory_space<vmem>>[vector<16xi32>, vector<16xi32>], vector<16xi32>,
    %swap3A_265 = arith.constant 3 : i32
    %swap3A_266 = arith.index_cast %swap3A_265 : i32 to index
    %swap3A_267 = arith.constant 64 : index
    %swap3A_268 = tpu.vector_load %arg10[%swap3A_266, %swap3A_267] {strides = array<i32>} : memref<4x128xi32, #tpu.memory_space<vmem>>, vector<16xi32>,
    tpu.vector_store %arg10[%swap3A_266, %swap3A_267], %gather3A_264 {strides = array<i32>} : memref<4x128xi32, #tpu.memory_space<vmem>>, vector<16xi32>,
    %get3A_269 = arith.constant 464 : index
    %get3A_270 = tpu.vector_load %arg7[%get3A_269] {strides = array<i32>} : memref<512xi32, #tpu.memory_space<vmem>>, vector<16xi32>,
    %get3A_271 = arith.constant 464 : index
    %get3A_272 = tpu.vector_load %arg8[%get3A_271] {strides = array<i32>} : memref<512xi32, #tpu.memory_space<vmem>>, vector<16xi32>,
    %gather3A_273 = tpu.vector_load_idx %arg9[%get3A_270, %get3A_272] : memref<10x3xi32, #tpu.memory_space<vmem>>[vector<16xi32>, vector<16xi32>], vector<16xi32>,
    %swap3A_274 = arith.constant 3 : i32
    %swap3A_275 = arith.index_cast %swap3A_274 : i32 to index
    %swap3A_276 = arith.constant 80 : index
    %swap3A_277 = tpu.vector_load %arg10[%swap3A_275, %swap3A_276] {strides = array<i32>} : memref<4x128xi32, #tpu.memory_space<vmem>>, vector<16xi32>,
    tpu.vector_store %arg10[%swap3A_275, %swap3A_276], %gather3A_273 {strides = array<i32>} : memref<4x128xi32, #tpu.memory_space<vmem>>, vector<16xi32>,
    %get3A_278 = arith.constant 480 : index
    %get3A_279 = tpu.vector_load %arg7[%get3A_278] {strides = array<i32>} : memref<512xi32, #tpu.memory_space<vmem>>, vector<16xi32>,
    %get3A_280 = arith.constant 480 : index
    %get3A_281 = tpu.vector_load %arg8[%get3A_280] {strides = array<i32>} : memref<512xi32, #tpu.memory_space<vmem>>, vector<16xi32>,
    %gather3A_282 = tpu.vector_load_idx %arg9[%get3A_279, %get3A_281] : memref<10x3xi32, #tpu.memory_space<vmem>>[vector<16xi32>, vector<16xi32>], vector<16xi32>,
    %swap3A_283 = arith.constant 3 : i32
    %swap3A_284 = arith.index_cast %swap3A_283 : i32 to index
    %swap3A_285 = arith.constant 96 : index
    %swap3A_286 = tpu.vector_load %arg10[%swap3A_284, %swap3A_285] {strides = array<i32>} : memref<4x128xi32, #tpu.memory_space<vmem>>, vector<16xi32>,
    tpu.vector_store %arg10[%swap3A_284, %swap3A_285], %gather3A_282 {strides = array<i32>} : memref<4x128xi32, #tpu.memory_space<vmem>>, vector<16xi32>,
    %get3A_287 = arith.constant 496 : index
    %get3A_288 = tpu.vector_load %arg7[%get3A_287] {strides = array<i32>} : memref<512xi32, #tpu.memory_space<vmem>>, vector<16xi32>,
    %get3A_289 = arith.constant 496 : index
    %get3A_290 = tpu.vector_load %arg8[%get3A_289] {strides = array<i32>} : memref<512xi32, #tpu.memory_space<vmem>>, vector<16xi32>,
    %gather3A_291 = tpu.vector_load_idx %arg9[%get3A_288, %get3A_290] : memref<10x3xi32, #tpu.memory_space<vmem>>[vector<16xi32>, vector<16xi32>], vector<16xi32>,
    %swap3A_292 = arith.constant 3 : i32
    %swap3A_293 = arith.index_cast %swap3A_292 : i32 to index
    %swap3A_294 = arith.constant 112 : index
    %swap3A_295 = tpu.vector_load %arg10[%swap3A_293, %swap3A_294] {strides = array<i32>} : memref<4x128xi32, #tpu.memory_space<vmem>>, vector<16xi32>,
    tpu.vector_store %arg10[%swap3A_293, %swap3A_294], %gather3A_291 {strides = array<i32>} : memref<4x128xi32, #tpu.memory_space<vmem>>, vector<16xi32>,
    %barrier3A = arith.constant 0 : index
    tpu.barrier barrier_id(%barrier3A)
    %dma_start3A_296 = arith.constant 0 : i32
    %dma_start3A_297 = arith.constant 0 : i32
    %dma_start3A_298 = arith.constant 0 : i32
    %dma_start3A_299 = arith.constant 0 : i32
    %dma_start3A_300 = arith.constant 0 : i32
    %dma_start3A_301 = tpu.memref_slice %arg12[%dma_start3A_297, %dma_start3A_298, %dma_start3A_299, %dma_start3A_300] : memref<4x128x1x128xf32, #tpu.memory_space<vmem>> -> memref<1x128x1x128xf32, #tpu.memory_space<vmem>>
    %dma_start3A_302 = tpu.memref_squeeze %dma_start3A_301 : memref<1x128x1x128xf32, #tpu.memory_space<vmem>> -> memref<128x1x128xf32, #tpu.memory_space<vmem>>
    %dma_start3A_303 = arith.constant 0 : i32
    %dma_start3A_304 = tpu.memref_slice %arg10[%dma_start3A_296, %dma_start3A_303] : memref<4x128xi32, #tpu.memory_space<vmem>> -> memref<1x128xi32, #tpu.memory_space<vmem>>
    %dma_start3A_305 = tpu.memref_squeeze %dma_start3A_304 : memref<1x128xi32, #tpu.memory_space<vmem>> -> memref<128xi32, #tpu.memory_space<vmem>>
    %dma_start3A_306 = arith.constant 0 : i32
    %dma_start3A_307 = arith.constant 0 : i32
    %dma_start3A_308 = arith.constant 0 : i32
    %dma_start3A_309 = tpu.memref_slice %arg11[%dma_start3A_306, %dma_start3A_307, %dma_start3A_308] : memref<12x1x128xf32, #tpu.memory_space<vmem_shared>> -> memref<12x1x128xf32, #tpu.memory_space<vmem_shared>>
    tpu.enqueue_indirect_dma source(%dma_start3A_309 : memref<12x1x128xf32, #tpu.memory_space<vmem_shared>>) target(%dma_start3A_302 : memref<128x1x128xf32, #tpu.memory_space<vmem>>) offsets(%dma_start3A_305 : memref<128xi32, #tpu.memory_space<vmem>>) semaphore(%arg13 : memref<!tpu.dma_semaphore, #tpu.memory_space<semaphore_mem>>)
    %dma_start3A_310 = arith.constant 1 : i32
    %dma_start3A_311 = arith.constant 1 : i32
    %dma_start3A_312 = arith.constant 0 : i32
    %dma_start3A_313 = arith.constant 0 : i32
    %dma_start3A_314 = arith.constant 0 : i32
    %dma_start3A_315 = tpu.memref_slice %arg12[%dma_start3A_311, %dma_start3A_312, %dma_start3A_313, %dma_start3A_314] : memref<4x128x1x128xf32, #tpu.memory_space<vmem>> -> memref<1x128x1x128xf32, #tpu.memory_space<vmem>>
    %dma_start3A_316 = tpu.memref_squeeze %dma_start3A_315 : memref<1x128x1x128xf32, #tpu.memory_space<vmem>> -> memref<128x1x128xf32, #tpu.memory_space<vmem>>
    %dma_start3A_317 = arith.constant 0 : i32
    %dma_start3A_318 = tpu.memref_slice %arg10[%dma_start3A_310, %dma_start3A_317] : memref<4x128xi32, #tpu.memory_space<vmem>> -> memref<1x128xi32, #tpu.memory_space<vmem>>
    %dma_start3A_319 = tpu.memref_squeeze %dma_start3A_318 : memref<1x128xi32, #tpu.memory_space<vmem>> -> memref<128xi32, #tpu.memory_space<vmem>>
    %dma_start3A_320 = arith.constant 0 : i32
    %dma_start3A_321 = arith.constant 0 : i32
    %dma_start3A_322 = arith.constant 0 : i32
    %dma_start3A_323 = tpu.memref_slice %arg11[%dma_start3A_320, %dma_start3A_321, %dma_start3A_322] : memref<12x1x128xf32, #tpu.memory_space<vmem_shared>> -> memref<12x1x128xf32, #tpu.memory_space<vmem_shared>>
    tpu.enqueue_indirect_dma source(%dma_start3A_323 : memref<12x1x128xf32, #tpu.memory_space<vmem_shared>>) target(%dma_start3A_316 : memref<128x1x128xf32, #tpu.memory_space<vmem>>) offsets(%dma_start3A_319 : memref<128xi32, #tpu.memory_space<vmem>>) semaphore(%arg13 : memref<!tpu.dma_semaphore, #tpu.memory_space<semaphore_mem>>)
    %dma_start3A_324 = arith.constant 2 : i32
    %dma_start3A_325 = arith.constant 2 : i32
    %dma_start3A_326 = arith.constant 0 : i32
    %dma_start3A_327 = arith.constant 0 : i32
    %dma_start3A_328 = arith.constant 0 : i32
    %dma_start3A_329 = tpu.memref_slice %arg12[%dma_start3A_325, %dma_start3A_326, %dma_start3A_327, %dma_start3A_328] : memref<4x128x1x128xf32, #tpu.memory_space<vmem>> -> memref<1x128x1x128xf32, #tpu.memory_space<vmem>>
    %dma_start3A_330 = tpu.memref_squeeze %dma_start3A_329 : memref<1x128x1x128xf32, #tpu.memory_space<vmem>> -> memref<128x1x128xf32, #tpu.memory_space<vmem>>
    %dma_start3A_331 = arith.constant 0 : i32
    %dma_start3A_332 = tpu.memref_slice %arg10[%dma_start3A_324, %dma_start3A_331] : memref<4x128xi32, #tpu.memory_space<vmem>> -> memref<1x128xi32, #tpu.memory_space<vmem>>
    %dma_start3A_333 = tpu.memref_squeeze %dma_start3A_332 : memref<1x128xi32, #tpu.memory_space<vmem>> -> memref<128xi32, #tpu.memory_space<vmem>>
    %dma_start3A_334 = arith.constant 0 : i32
    %dma_start3A_335 = arith.constant 0 : i32
    %dma_start3A_336 = arith.constant 0 : i32
    %dma_start3A_337 = tpu.memref_slice %arg11[%dma_start3A_334, %dma_start3A_335, %dma_start3A_336] : memref<12x1x128xf32, #tpu.memory_space<vmem_shared>> -> memref<12x1x128xf32, #tpu.memory_space<vmem_shared>>
    tpu.enqueue_indirect_dma source(%dma_start3A_337 : memref<12x1x128xf32, #tpu.memory_space<vmem_shared>>) target(%dma_start3A_330 : memref<128x1x128xf32, #tpu.memory_space<vmem>>) offsets(%dma_start3A_333 : memref<128xi32, #tpu.memory_space<vmem>>) semaphore(%arg13 : memref<!tpu.dma_semaphore, #tpu.memory_space<semaphore_mem>>)
    %dma_start3A_338 = arith.constant 3 : i32
    %dma_start3A_339 = arith.constant 3 : i32
    %dma_start3A_340 = arith.constant 0 : i32
    %dma_start3A_341 = arith.constant 0 : i32
    %dma_start3A_342 = arith.constant 0 : i32
    %dma_start3A_343 = tpu.memref_slice %arg12[%dma_start3A_339, %dma_start3A_340, %dma_start3A_341, %dma_start3A_342] : memref<4x128x1x128xf32, #tpu.memory_space<vmem>> -> memref<1x128x1x128xf32, #tpu.memory_space<vmem>>
    %dma_start3A_344 = tpu.memref_squeeze %dma_start3A_343 : memref<1x128x1x128xf32, #tpu.memory_space<vmem>> -> memref<128x1x128xf32, #tpu.memory_space<vmem>>
    %dma_start3A_345 = arith.constant 0 : i32
    %dma_start3A_346 = tpu.memref_slice %arg10[%dma_start3A_338, %dma_start3A_345] : memref<4x128xi32, #tpu.memory_space<vmem>> -> memref<1x128xi32, #tpu.memory_space<vmem>>
    %dma_start3A_347 = tpu.memref_squeeze %dma_start3A_346 : memref<1x128xi32, #tpu.memory_space<vmem>> -> memref<128xi32, #tpu.memory_space<vmem>>
    %dma_start3A_348 = arith.constant 0 : i32
    %dma_start3A_349 = arith.constant 0 : i32
    %dma_start3A_350 = arith.constant 0 : i32
    %dma_start3A_351 = tpu.memref_slice %arg11[%dma_start3A_348, %dma_start3A_349, %dma_start3A_350] : memref<12x1x128xf32, #tpu.memory_space<vmem_shared>> -> memref<12x1x128xf32, #tpu.memory_space<vmem_shared>>
    tpu.enqueue_indirect_dma source(%dma_start3A_351 : memref<12x1x128xf32, #tpu.memory_space<vmem_shared>>) target(%dma_start3A_344 : memref<128x1x128xf32, #tpu.memory_space<vmem>>) offsets(%dma_start3A_347 : memref<128xi32, #tpu.memory_space<vmem>>) semaphore(%arg13 : memref<!tpu.dma_semaphore, #tpu.memory_space<semaphore_mem>>)
    %dma_wait3A_352 = arith.constant 0 : i32
    %dma_wait3A_353 = arith.constant 0 : i32
    %dma_wait3A_354 = arith.constant 0 : i32
    %dma_wait3A_355 = arith.constant 0 : i32
    %dma_wait3A_356 = arith.constant 0 : i32
    %dma_wait3A_357 = tpu.memref_slice %arg12[%dma_wait3A_353, %dma_wait3A_354, %dma_wait3A_355, %dma_wait3A_356] : memref<4x128x1x128xf32, #tpu.memory_space<vmem>> -> memref<1x128x1x128xf32, #tpu.memory_space<vmem>>
    %dma_wait3A_358 = tpu.memref_squeeze %dma_wait3A_357 : memref<1x128x1x128xf32, #tpu.memory_space<vmem>> -> memref<128x1x128xf32, #tpu.memory_space<vmem>>
    %dma_wait3A_359 = arith.constant 0 : i32
    %dma_wait3A_360 = tpu.memref_slice %arg10[%dma_wait3A_352, %dma_wait3A_359] : memref<4x128xi32, #tpu.memory_space<vmem>> -> memref<1x128xi32, #tpu.memory_space<vmem>>
    %dma_wait3A_361 = tpu.memref_squeeze %dma_wait3A_360 : memref<1x128xi32, #tpu.memory_space<vmem>> -> memref<128xi32, #tpu.memory_space<vmem>>
    %dma_wait3A_362 = arith.constant 0 : i32
    %dma_wait3A_363 = arith.constant 0 : i32
    %dma_wait3A_364 = arith.constant 0 : i32
    %dma_wait3A_365 = tpu.memref_slice %arg11[%dma_wait3A_362, %dma_wait3A_363, %dma_wait3A_364] : memref<12x1x128xf32, #tpu.memory_space<vmem_shared>> -> memref<12x1x128xf32, #tpu.memory_space<vmem_shared>>
    tpu.wait_indirect_dma semaphore(%arg13 : memref<!tpu.dma_semaphore, #tpu.memory_space<semaphore_mem>>) src(%dma_wait3A_365 : memref<12x1x128xf32, #tpu.memory_space<vmem_shared>>) dst(%dma_wait3A_358 : memref<128x1x128xf32, #tpu.memory_space<vmem>>)
    %add3A_366 = arith.constant 0 : i32
    %add3A_367 = arith.addi %mul3A_2, %add3A_366 : i32
    %dma_start3A_368 = arith.constant 0 : i32
    %dma_start3A_369 = arith.constant 0 : i32
    %dma_start3A_370 = arith.constant 0 : i32
    %dma_start3A_371 = arith.constant 0 : i32
    %dma_start3A_372 = tpu.memref_slice %arg12[%dma_start3A_368, %dma_start3A_369, %dma_start3A_370, %dma_start3A_371] : memref<4x128x1x128xf32, #tpu.memory_space<vmem>> -> memref<1x128x1x128xf32, #tpu.memory_space<vmem>>
    %dma_start3A_373 = tpu.memref_squeeze %dma_start3A_372 : memref<1x128x1x128xf32, #tpu.memory_space<vmem>> -> memref<128x1x128xf32, #tpu.memory_space<vmem>>
    %dma_start3A_374 = arith.constant 0 : i32
    %dma_start3A_375 = arith.constant 0 : i32
    %dma_start3A_376 = tpu.memref_slice %arg6[%add3A_367, %dma_start3A_374, %dma_start3A_375] : memref<16384x1x128xf32, #tpu.memory_space<hbm>> -> memref<128x1x128xf32, #tpu.memory_space<hbm>>
    %dma_start3A_377 = arith.constant 0 : i32
    %dma_start3A_378 = arith.constant 0 : i32
    %dma_start3A_379 = tpu.memref_slice %arg6[%add3A_367, %dma_start3A_377, %dma_start3A_378] : memref<16384x1x128xf32, #tpu.memory_space<hbm>> -> memref<128x1x128xf32, #tpu.memory_space<hbm>>
    %dma_start3A_380 = arith.constant 0 : i32
    %dma_start3A_381 = arith.constant 0 : i32
    %dma_start3A_382 = arith.constant 0 : i32
    %dma_start3A_383 = tpu.memref_slice %arg12[%dma_start3A_368, %dma_start3A_380, %dma_start3A_381, %dma_start3A_382] : memref<4x128x1x128xf32, #tpu.memory_space<vmem>> -> memref<1x128x1x128xf32, #tpu.memory_space<vmem>>
    %dma_start3A_384 = tpu.memref_squeeze %dma_start3A_383 : memref<1x128x1x128xf32, #tpu.memory_space<vmem>> -> memref<128x1x128xf32, #tpu.memory_space<vmem>>
    tpu.enqueue_dma source(%dma_start3A_384 : memref<128x1x128xf32, #tpu.memory_space<vmem>>) target(%dma_start3A_379 : memref<128x1x128xf32, #tpu.memory_space<hbm>>) target_semaphore(%arg14 : memref<!tpu.dma_semaphore, #tpu.memory_space<semaphore_mem>>)
    %dma_wait3A_385 = arith.constant 1 : i32
    %dma_wait3A_386 = arith.constant 1 : i32
    %dma_wait3A_387 = arith.constant 0 : i32
    %dma_wait3A_388 = arith.constant 0 : i32
    %dma_wait3A_389 = arith.constant 0 : i32
    %dma_wait3A_390 = tpu.memref_slice %arg12[%dma_wait3A_386, %dma_wait3A_387, %dma_wait3A_388, %dma_wait3A_389] : memref<4x128x1x128xf32, #tpu.memory_space<vmem>> -> memref<1x128x1x128xf32, #tpu.memory_space<vmem>>
    %dma_wait3A_391 = tpu.memref_squeeze %dma_wait3A_390 : memref<1x128x1x128xf32, #tpu.memory_space<vmem>> -> memref<128x1x128xf32, #tpu.memory_space<vmem>>
    %dma_wait3A_392 = arith.constant 0 : i32
    %dma_wait3A_393 = tpu.memref_slice %arg10[%dma_wait3A_385, %dma_wait3A_392] : memref<4x128xi32, #tpu.memory_space<vmem>> -> memref<1x128xi32, #tpu.memory_space<vmem>>
    %dma_wait3A_394 = tpu.memref_squeeze %dma_wait3A_393 : memref<1x128xi32, #tpu.memory_space<vmem>> -> memref<128xi32, #tpu.memory_space<vmem>>
    %dma_wait3A_395 = arith.constant 0 : i32
    %dma_wait3A_396 = arith.constant 0 : i32
    %dma_wait3A_397 = arith.constant 0 : i32
    %dma_wait3A_398 = tpu.memref_slice %arg11[%dma_wait3A_395, %dma_wait3A_396, %dma_wait3A_397] : memref<12x1x128xf32, #tpu.memory_space<vmem_shared>> -> memref<12x1x128xf32, #tpu.memory_space<vmem_shared>>
    tpu.wait_indirect_dma semaphore(%arg13 : memref<!tpu.dma_semaphore, #tpu.memory_space<semaphore_mem>>) src(%dma_wait3A_398 : memref<12x1x128xf32, #tpu.memory_space<vmem_shared>>) dst(%dma_wait3A_391 : memref<128x1x128xf32, #tpu.memory_space<vmem>>)
    %add3A_399 = arith.constant 128 : i32
    %add3A_400 = arith.addi %mul3A_2, %add3A_399 : i32
    %dma_start3A_401 = arith.constant 1 : i32
    %dma_start3A_402 = arith.constant 0 : i32
    %dma_start3A_403 = arith.constant 0 : i32
    %dma_start3A_404 = arith.constant 0 : i32
    %dma_start3A_405 = tpu.memref_slice %arg12[%dma_start3A_401, %dma_start3A_402, %dma_start3A_403, %dma_start3A_404] : memref<4x128x1x128xf32, #tpu.memory_space<vmem>> -> memref<1x128x1x128xf32, #tpu.memory_space<vmem>>
    %dma_start3A_406 = tpu.memref_squeeze %dma_start3A_405 : memref<1x128x1x128xf32, #tpu.memory_space<vmem>> -> memref<128x1x128xf32, #tpu.memory_space<vmem>>
    %dma_start3A_407 = arith.constant 0 : i32
    %dma_start3A_408 = arith.constant 0 : i32
    %dma_start3A_409 = tpu.memref_slice %arg6[%add3A_400, %dma_start3A_407, %dma_start3A_408] : memref<16384x1x128xf32, #tpu.memory_space<hbm>> -> memref<128x1x128xf32, #tpu.memory_space<hbm>>
    %dma_start3A_410 = arith.constant 0 : i32
    %dma_start3A_411 = arith.constant 0 : i32
    %dma_start3A_412 = tpu.memref_slice %arg6[%add3A_400, %dma_start3A_410, %dma_start3A_411] : memref<16384x1x128xf32, #tpu.memory_space<hbm>> -> memref<128x1x128xf32, #tpu.memory_space<hbm>>
    %dma_start3A_413 = arith.constant 0 : i32
    %dma_start3A_414 = arith.constant 0 : i32
    %dma_start3A_415 = arith.constant 0 : i32
    %dma_start3A_416 = tpu.memref_slice %arg12[%dma_start3A_401, %dma_start3A_413, %dma_start3A_414, %dma_start3A_415] : memref<4x128x1x128xf32, #tpu.memory_space<vmem>> -> memref<1x128x1x128xf32, #tpu.memory_space<vmem>>
    %dma_start3A_417 = tpu.memref_squeeze %dma_start3A_416 : memref<1x128x1x128xf32, #tpu.memory_space<vmem>> -> memref<128x1x128xf32, #tpu.memory_space<vmem>>
    tpu.enqueue_dma source(%dma_start3A_417 : memref<128x1x128xf32, #tpu.memory_space<vmem>>) target(%dma_start3A_412 : memref<128x1x128xf32, #tpu.memory_space<hbm>>) target_semaphore(%arg14 : memref<!tpu.dma_semaphore, #tpu.memory_space<semaphore_mem>>)
    %dma_wait3A_418 = arith.constant 2 : i32
    %dma_wait3A_419 = arith.constant 2 : i32
    %dma_wait3A_420 = arith.constant 0 : i32
    %dma_wait3A_421 = arith.constant 0 : i32
    %dma_wait3A_422 = arith.constant 0 : i32
    %dma_wait3A_423 = tpu.memref_slice %arg12[%dma_wait3A_419, %dma_wait3A_420, %dma_wait3A_421, %dma_wait3A_422] : memref<4x128x1x128xf32, #tpu.memory_space<vmem>> -> memref<1x128x1x128xf32, #tpu.memory_space<vmem>>
    %dma_wait3A_424 = tpu.memref_squeeze %dma_wait3A_423 : memref<1x128x1x128xf32, #tpu.memory_space<vmem>> -> memref<128x1x128xf32, #tpu.memory_space<vmem>>
    %dma_wait3A_425 = arith.constant 0 : i32
    %dma_wait3A_426 = tpu.memref_slice %arg10[%dma_wait3A_418, %dma_wait3A_425] : memref<4x128xi32, #tpu.memory_space<vmem>> -> memref<1x128xi32, #tpu.memory_space<vmem>>
    %dma_wait3A_427 = tpu.memref_squeeze %dma_wait3A_426 : memref<1x128xi32, #tpu.memory_space<vmem>> -> memref<128xi32, #tpu.memory_space<vmem>>
    %dma_wait3A_428 = arith.constant 0 : i32
    %dma_wait3A_429 = arith.constant 0 : i32
    %dma_wait3A_430 = arith.constant 0 : i32
    %dma_wait3A_431 = tpu.memref_slice %arg11[%dma_wait3A_428, %dma_wait3A_429, %dma_wait3A_430] : memref<12x1x128xf32, #tpu.memory_space<vmem_shared>> -> memref<12x1x128xf32, #tpu.memory_space<vmem_shared>>
    tpu.wait_indirect_dma semaphore(%arg13 : memref<!tpu.dma_semaphore, #tpu.memory_space<semaphore_mem>>) src(%dma_wait3A_431 : memref<12x1x128xf32, #tpu.memory_space<vmem_shared>>) dst(%dma_wait3A_424 : memref<128x1x128xf32, #tpu.memory_space<vmem>>)
    %add3A_432 = arith.constant 256 : i32
    %add3A_433 = arith.addi %mul3A_2, %add3A_432 : i32
    %dma_start3A_434 = arith.constant 2 : i32
    %dma_start3A_435 = arith.constant 0 : i32
    %dma_start3A_436 = arith.constant 0 : i32
    %dma_start3A_437 = arith.constant 0 : i32
    %dma_start3A_438 = tpu.memref_slice %arg12[%dma_start3A_434, %dma_start3A_435, %dma_start3A_436, %dma_start3A_437] : memref<4x128x1x128xf32, #tpu.memory_space<vmem>> -> memref<1x128x1x128xf32, #tpu.memory_space<vmem>>
    %dma_start3A_439 = tpu.memref_squeeze %dma_start3A_438 : memref<1x128x1x128xf32, #tpu.memory_space<vmem>> -> memref<128x1x128xf32, #tpu.memory_space<vmem>>
    %dma_start3A_440 = arith.constant 0 : i32
    %dma_start3A_441 = arith.constant 0 : i32
    %dma_start3A_442 = tpu.memref_slice %arg6[%add3A_433, %dma_start3A_440, %dma_start3A_441] : memref<16384x1x128xf32, #tpu.memory_space<hbm>> -> memref<128x1x128xf32, #tpu.memory_space<hbm>>
    %dma_start3A_443 = arith.constant 0 : i32
    %dma_start3A_444 = arith.constant 0 : i32
    %dma_start3A_445 = tpu.memref_slice %arg6[%add3A_433, %dma_start3A_443, %dma_start3A_444] : memref<16384x1x128xf32, #tpu.memory_space<hbm>> -> memref<128x1x128xf32, #tpu.memory_space<hbm>>
    %dma_start3A_446 = arith.constant 0 : i32
    %dma_start3A_447 = arith.constant 0 : i32
    %dma_start3A_448 = arith.constant 0 : i32
    %dma_start3A_449 = tpu.memref_slice %arg12[%dma_start3A_434, %dma_start3A_446, %dma_start3A_447, %dma_start3A_448] : memref<4x128x1x128xf32, #tpu.memory_space<vmem>> -> memref<1x128x1x128xf32, #tpu.memory_space<vmem>>
    %dma_start3A_450 = tpu.memref_squeeze %dma_start3A_449 : memref<1x128x1x128xf32, #tpu.memory_space<vmem>> -> memref<128x1x128xf32, #tpu.memory_space<vmem>>
    tpu.enqueue_dma source(%dma_start3A_450 : memref<128x1x128xf32, #tpu.memory_space<vmem>>) target(%dma_start3A_445 : memref<128x1x128xf32, #tpu.memory_space<hbm>>) target_semaphore(%arg14 : memref<!tpu.dma_semaphore, #tpu.memory_space<semaphore_mem>>)
    %dma_wait3A_451 = arith.constant 3 : i32
    %dma_wait3A_452 = arith.constant 3 : i32
    %dma_wait3A_453 = arith.constant 0 : i32
    %dma_wait3A_454 = arith.constant 0 : i32
    %dma_wait3A_455 = arith.constant 0 : i32
    %dma_wait3A_456 = tpu.memref_slice %arg12[%dma_wait3A_452, %dma_wait3A_453, %dma_wait3A_454, %dma_wait3A_455] : memref<4x128x1x128xf32, #tpu.memory_space<vmem>> -> memref<1x128x1x128xf32, #tpu.memory_space<vmem>>
    %dma_wait3A_457 = tpu.memref_squeeze %dma_wait3A_456 : memref<1x128x1x128xf32, #tpu.memory_space<vmem>> -> memref<128x1x128xf32, #tpu.memory_space<vmem>>
    %dma_wait3A_458 = arith.constant 0 : i32
    %dma_wait3A_459 = tpu.memref_slice %arg10[%dma_wait3A_451, %dma_wait3A_458] : memref<4x128xi32, #tpu.memory_space<vmem>> -> memref<1x128xi32, #tpu.memory_space<vmem>>
    %dma_wait3A_460 = tpu.memref_squeeze %dma_wait3A_459 : memref<1x128xi32, #tpu.memory_space<vmem>> -> memref<128xi32, #tpu.memory_space<vmem>>
    %dma_wait3A_461 = arith.constant 0 : i32
    %dma_wait3A_462 = arith.constant 0 : i32
    %dma_wait3A_463 = arith.constant 0 : i32
    %dma_wait3A_464 = tpu.memref_slice %arg11[%dma_wait3A_461, %dma_wait3A_462, %dma_wait3A_463] : memref<12x1x128xf32, #tpu.memory_space<vmem_shared>> -> memref<12x1x128xf32, #tpu.memory_space<vmem_shared>>
    tpu.wait_indirect_dma semaphore(%arg13 : memref<!tpu.dma_semaphore, #tpu.memory_space<semaphore_mem>>) src(%dma_wait3A_464 : memref<12x1x128xf32, #tpu.memory_space<vmem_shared>>) dst(%dma_wait3A_457 : memref<128x1x128xf32, #tpu.memory_space<vmem>>)
    %add3A_465 = arith.constant 384 : i32
    %add3A_466 = arith.addi %mul3A_2, %add3A_465 : i32
    %dma_start3A_467 = arith.constant 3 : i32
    %dma_start3A_468 = arith.constant 0 : i32
    %dma_start3A_469 = arith.constant 0 : i32
    %dma_start3A_470 = arith.constant 0 : i32
    %dma_start3A_471 = tpu.memref_slice %arg12[%dma_start3A_467, %dma_start3A_468, %dma_start3A_469, %dma_start3A_470] : memref<4x128x1x128xf32, #tpu.memory_space<vmem>> -> memref<1x128x1x128xf32, #tpu.memory_space<vmem>>
    %dma_start3A_472 = tpu.memref_squeeze %dma_start3A_471 : memref<1x128x1x128xf32, #tpu.memory_space<vmem>> -> memref<128x1x128xf32, #tpu.memory_space<vmem>>
    %dma_start3A_473 = arith.constant 0 : i32
    %dma_start3A_474 = arith.constant 0 : i32
    %dma_start3A_475 = tpu.memref_slice %arg6[%add3A_466, %dma_start3A_473, %dma_start3A_474] : memref<16384x1x128xf32, #tpu.memory_space<hbm>> -> memref<128x1x128xf32, #tpu.memory_space<hbm>>
    %dma_start3A_476 = arith.constant 0 : i32
    %dma_start3A_477 = arith.constant 0 : i32
    %dma_start3A_478 = tpu.memref_slice %arg6[%add3A_466, %dma_start3A_476, %dma_start3A_477] : memref<16384x1x128xf32, #tpu.memory_space<hbm>> -> memref<128x1x128xf32, #tpu.memory_space<hbm>>
    %dma_start3A_479 = arith.constant 0 : i32
    %dma_start3A_480 = arith.constant 0 : i32
    %dma_start3A_481 = arith.constant 0 : i32
    %dma_start3A_482 = tpu.memref_slice %arg12[%dma_start3A_467, %dma_start3A_479, %dma_start3A_480, %dma_start3A_481] : memref<4x128x1x128xf32, #tpu.memory_space<vmem>> -> memref<1x128x1x128xf32, #tpu.memory_space<vmem>>
    %dma_start3A_483 = tpu.memref_squeeze %dma_start3A_482 : memref<1x128x1x128xf32, #tpu.memory_space<vmem>> -> memref<128x1x128xf32, #tpu.memory_space<vmem>>
    tpu.enqueue_dma source(%dma_start3A_483 : memref<128x1x128xf32, #tpu.memory_space<vmem>>) target(%dma_start3A_478 : memref<128x1x128xf32, #tpu.memory_space<hbm>>) target_semaphore(%arg14 : memref<!tpu.dma_semaphore, #tpu.memory_space<semaphore_mem>>)
    %dma_wait3A_484 = arith.constant 0 : i32
    %dma_wait3A_485 = arith.constant 0 : i32
    %dma_wait3A_486 = arith.constant 0 : i32
    %dma_wait3A_487 = arith.constant 0 : i32
    %dma_wait3A_488 = tpu.memref_slice %arg12[%dma_wait3A_484, %dma_wait3A_485, %dma_wait3A_486, %dma_wait3A_487] : memref<4x128x1x128xf32, #tpu.memory_space<vmem>> -> memref<1x128x1x128xf32, #tpu.memory_space<vmem>>
    %dma_wait3A_489 = tpu.memref_squeeze %dma_wait3A_488 : memref<1x128x1x128xf32, #tpu.memory_space<vmem>> -> memref<128x1x128xf32, #tpu.memory_space<vmem>>
    %dma_wait3A_490 = arith.constant 0 : i32
    %dma_wait3A_491 = arith.constant 0 : i32
    %dma_wait3A_492 = tpu.memref_slice %arg6[%add3A_367, %dma_wait3A_490, %dma_wait3A_491] : memref<16384x1x128xf32, #tpu.memory_space<hbm>> -> memref<128x1x128xf32, #tpu.memory_space<hbm>>
    %dma_wait3A_493 = arith.constant 0 : i32
    %dma_wait3A_494 = arith.constant 0 : i32
    %dma_wait3A_495 = tpu.memref_slice %arg6[%add3A_367, %dma_wait3A_493, %dma_wait3A_494] : memref<16384x1x128xf32, #tpu.memory_space<hbm>> -> memref<128x1x128xf32, #tpu.memory_space<hbm>>
    %dma_wait3A_496 = arith.constant 0 : i32
    %dma_wait3A_497 = arith.constant 0 : i32
    %dma_wait3A_498 = arith.constant 0 : i32
    %dma_wait3A_499 = tpu.memref_slice %arg12[%dma_wait3A_484, %dma_wait3A_496, %dma_wait3A_497, %dma_wait3A_498] : memref<4x128x1x128xf32, #tpu.memory_space<vmem>> -> memref<1x128x1x128xf32, #tpu.memory_space<vmem>>
    %dma_wait3A_500 = tpu.memref_squeeze %dma_wait3A_499 : memref<1x128x1x128xf32, #tpu.memory_space<vmem>> -> memref<128x1x128xf32, #tpu.memory_space<vmem>>
    tpu.wait_dma2 semaphore(%arg14 : memref<!tpu.dma_semaphore, #tpu.memory_space<semaphore_mem>>) src(%dma_wait3A_500 : memref<128x1x128xf32, #tpu.memory_space<vmem>>) dst(%dma_wait3A_495 : memref<128x1x128xf32, #tpu.memory_space<hbm>>)
    %dma_wait3A_501 = arith.constant 1 : i32
    %dma_wait3A_502 = arith.constant 0 : i32
    %dma_wait3A_503 = arith.constant 0 : i32
    %dma_wait3A_504 = arith.constant 0 : i32
    %dma_wait3A_505 = tpu.memref_slice %arg12[%dma_wait3A_501, %dma_wait3A_502, %dma_wait3A_503, %dma_wait3A_504] : memref<4x128x1x128xf32, #tpu.memory_space<vmem>> -> memref<1x128x1x128xf32, #tpu.memory_space<vmem>>
    %dma_wait3A_506 = tpu.memref_squeeze %dma_wait3A_505 : memref<1x128x1x128xf32, #tpu.memory_space<vmem>> -> memref<128x1x128xf32, #tpu.memory_space<vmem>>
    %dma_wait3A_507 = arith.constant 0 : i32
    %dma_wait3A_508 = arith.constant 0 : i32
    %dma_wait3A_509 = tpu.memref_slice %arg6[%add3A_400, %dma_wait3A_507, %dma_wait3A_508] : memref<16384x1x128xf32, #tpu.memory_space<hbm>> -> memref<128x1x128xf32, #tpu.memory_space<hbm>>
    %dma_wait3A_510 = arith.constant 0 : i32
    %dma_wait3A_511 = arith.constant 0 : i32
    %dma_wait3A_512 = tpu.memref_slice %arg6[%add3A_400, %dma_wait3A_510, %dma_wait3A_511] : memref<16384x1x128xf32, #tpu.memory_space<hbm>> -> memref<128x1x128xf32, #tpu.memory_space<hbm>>
    %dma_wait3A_513 = arith.constant 0 : i32
    %dma_wait3A_514 = arith.constant 0 : i32
    %dma_wait3A_515 = arith.constant 0 : i32
    %dma_wait3A_516 = tpu.memref_slice %arg12[%dma_wait3A_501, %dma_wait3A_513, %dma_wait3A_514, %dma_wait3A_515] : memref<4x128x1x128xf32, #tpu.memory_space<vmem>> -> memref<1x128x1x128xf32, #tpu.memory_space<vmem>>
    %dma_wait3A_517 = tpu.memref_squeeze %dma_wait3A_516 : memref<1x128x1x128xf32, #tpu.memory_space<vmem>> -> memref<128x1x128xf32, #tpu.memory_space<vmem>>
    tpu.wait_dma2 semaphore(%arg14 : memref<!tpu.dma_semaphore, #tpu.memory_space<semaphore_mem>>) src(%dma_wait3A_517 : memref<128x1x128xf32, #tpu.memory_space<vmem>>) dst(%dma_wait3A_512 : memref<128x1x128xf32, #tpu.memory_space<hbm>>)
    %dma_wait3A_518 = arith.constant 2 : i32
    %dma_wait3A_519 = arith.constant 0 : i32
    %dma_wait3A_520 = arith.constant 0 : i32
    %dma_wait3A_521 = arith.constant 0 : i32
    %dma_wait3A_522 = tpu.memref_slice %arg12[%dma_wait3A_518, %dma_wait3A_519, %dma_wait3A_520, %dma_wait3A_521] : memref<4x128x1x128xf32, #tpu.memory_space<vmem>> -> memref<1x128x1x128xf32, #tpu.memory_space<vmem>>
    %dma_wait3A_523 = tpu.memref_squeeze %dma_wait3A_522 : memref<1x128x1x128xf32, #tpu.memory_space<vmem>> -> memref<128x1x128xf32, #tpu.memory_space<vmem>>
    %dma_wait3A_524 = arith.constant 0 : i32
    %dma_wait3A_525 = arith.constant 0 : i32
    %dma_wait3A_526 = tpu.memref_slice %arg6[%add3A_433, %dma_wait3A_524, %dma_wait3A_525] : memref<16384x1x128xf32, #tpu.memory_space<hbm>> -> memref<128x1x128xf32, #tpu.memory_space<hbm>>
    %dma_wait3A_527 = arith.constant 0 : i32
    %dma_wait3A_528 = arith.constant 0 : i32
    %dma_wait3A_529 = tpu.memref_slice %arg6[%add3A_433, %dma_wait3A_527, %dma_wait3A_528] : memref<16384x1x128xf32, #tpu.memory_space<hbm>> -> memref<128x1x128xf32, #tpu.memory_space<hbm>>
    %dma_wait3A_530 = arith.constant 0 : i32
    %dma_wait3A_531 = arith.constant 0 : i32
    %dma_wait3A_532 = arith.constant 0 : i32
    %dma_wait3A_533 = tpu.memref_slice %arg12[%dma_wait3A_518, %dma_wait3A_530, %dma_wait3A_531, %dma_wait3A_532] : memref<4x128x1x128xf32, #tpu.memory_space<vmem>> -> memref<1x128x1x128xf32, #tpu.memory_space<vmem>>
    %dma_wait3A_534 = tpu.memref_squeeze %dma_wait3A_533 : memref<1x128x1x128xf32, #tpu.memory_space<vmem>> -> memref<128x1x128xf32, #tpu.memory_space<vmem>>
    tpu.wait_dma2 semaphore(%arg14 : memref<!tpu.dma_semaphore, #tpu.memory_space<semaphore_mem>>) src(%dma_wait3A_534 : memref<128x1x128xf32, #tpu.memory_space<vmem>>) dst(%dma_wait3A_529 : memref<128x1x128xf32, #tpu.memory_space<hbm>>)
    %dma_wait3A_535 = arith.constant 3 : i32
    %dma_wait3A_536 = arith.constant 0 : i32
    %dma_wait3A_537 = arith.constant 0 : i32
    %dma_wait3A_538 = arith.constant 0 : i32
    %dma_wait3A_539 = tpu.memref_slice %arg12[%dma_wait3A_535, %dma_wait3A_536, %dma_wait3A_537, %dma_wait3A_538] : memref<4x128x1x128xf32, #tpu.memory_space<vmem>> -> memref<1x128x1x128xf32, #tpu.memory_space<vmem>>
    %dma_wait3A_540 = tpu.memref_squeeze %dma_wait3A_539 : memref<1x128x1x128xf32, #tpu.memory_space<vmem>> -> memref<128x1x128xf32, #tpu.memory_space<vmem>>
    %dma_wait3A_541 = arith.constant 0 : i32
    %dma_wait3A_542 = arith.constant 0 : i32
    %dma_wait3A_543 = tpu.memref_slice %arg6[%add3A_466, %dma_wait3A_541, %dma_wait3A_542] : memref<16384x1x128xf32, #tpu.memory_space<hbm>> -> memref<128x1x128xf32, #tpu.memory_space<hbm>>
    %dma_wait3A_544 = arith.constant 0 : i32
    %dma_wait3A_545 = arith.constant 0 : i32
    %dma_wait3A_546 = tpu.memref_slice %arg6[%add3A_466, %dma_wait3A_544, %dma_wait3A_545] : memref<16384x1x128xf32, #tpu.memory_space<hbm>> -> memref<128x1x128xf32, #tpu.memory_space<hbm>>
    %dma_wait3A_547 = arith.constant 0 : i32
    %dma_wait3A_548 = arith.constant 0 : i32
    %dma_wait3A_549 = arith.constant 0 : i32
    %dma_wait3A_550 = tpu.memref_slice %arg12[%dma_wait3A_535, %dma_wait3A_547, %dma_wait3A_548, %dma_wait3A_549] : memref<4x128x1x128xf32, #tpu.memory_space<vmem>> -> memref<1x128x1x128xf32, #tpu.memory_space<vmem>>
    %dma_wait3A_551 = tpu.memref_squeeze %dma_wait3A_550 : memref<1x128x1x128xf32, #tpu.memory_space<vmem>> -> memref<128x1x128xf32, #tpu.memory_space<vmem>>
    tpu.wait_dma2 semaphore(%arg14 : memref<!tpu.dma_semaphore, #tpu.memory_space<semaphore_mem>>) src(%dma_wait3A_551 : memref<128x1x128xf32, #tpu.memory_space<vmem>>) dst(%dma_wait3A_546 : memref<128x1x128xf32, #tpu.memory_space<hbm>>)
    return
  }
}

</mosaic_0001>

<sc_bundles>
// kernel: kernel.3.cloned.1.call-start
scs
__scs_entry_jumppad:
0x0: {  	(pc) =	sbr.rel $0x88, $3  }
0x1: {  	(tag) =	ssettag $0x0;
	lr =	simm.s32 $0x1  }
0x2: {  	[smem:$0x3F9D] =	sst lr;
	_ =	strace $0xD0000000  }
0x3: {  	_ = 	snop  }
0x4: {  	_ = 	snop  }
0x5: {  	_ = 	snop  }
0x6: {  	_ = 	snop  }
0x7: {  	_ = 	snop  }
__scs_overlays_trampoline_lowered:
0x8: {  	[smem:$0x3FAC] =	sst s0  }
0x9: {  	[smem:$0x3FAD] =	sst s1  }
0xa: {  	[smem:$0x3FAE] =	sst s2  }
0xb: {  	[smem:$0x3FAF] =	sst s3  }
0xc: {  	[smem:$0x3FB0] =	sst s4  }
0xd: {  	[smem:$0x3FB1] =	sst s5  }
0xe: {  	[smem:$0x3FB2] =	sst s6  }
0xf: {  	[smem:$0x3FB3] =	sst s7  }
0x10: {  	[smem:$0x3FB4] =	sst s8  }
0x11: {  	[smem:$0x3FB5] =	sst s9;
	s0 =	simm.s32 @!p0 $0x0  }
0x12: {  	s1 =	sld [smem:$0x3F9B];
	s0 =	simm.s32 @p0 $0x1  }
0x13: {  	[smem:$0x3FB6] =	sst s0;
	s0 =	simm.s32 @!p1 $0x0  }
0x14: {  	s2 =	sld [smem:$0x3F9A];
	s0 =	simm.s32 @p1 $0x1  }
0x15: {  	[smem:$0x3FB7] =	sst s0;
	s0 =	simm.s32 @!p2 $0x0  }
0x16: {  	s3 =	sld [smem:$0x3FDB];
	s0 =	simm.s32 @p2 $0x1  }
0x17: {  	s4 =	simm.s32 $0x1BF5;
	[smem:$0x3FB9] =	sst s0  }
0x18: {  	s0 =	sld [smem:$0x3F9C];
	_ =	swait.ge [sflag:s4], $0x0  }
0x19: {  	s7 =	sld [smem:$0x3F9D]  }
0x1a: {  	s8 =	sadd.s32 $0xFFFFE003, lr  }
0x1b: {  	s9 =	sadd.s32 $0xFFFFFEF7, lr;
	s5 =	simm.s32 $0xFFFFFFFF;
	p2 =	slt.u32 s8, $0xFFFFF086  }
0x1c: {  	p1 =	slt.u32 s9, $0xF7A;
	s5 =	simm.s32 @!p2 $0x0  }
0x1d: {  	s5 =	simm.s32 @p1 $0x1;
	p0 =	seq.s32 s7, s2  }
0x1e: {  	s7 =	smul.u32 @!p0 $0xF7A, s2;
	p2 =	seq.s32 @!p0 s5, $0x0  }
0x1f: {  	s9 =	smul.u32 $0xF7A, s1;
	s8 =	simm.s32 @!p0 $0x1BF5;
	p2 =	por !p2, p0  }
0x20: {  	[sflag:s8] =	ssyncset.s32 @!p0 $0xFFFFF086;
	s6 =	sadd.s32 @!p0 s3, s7;
	s7 =	simm.s32 @!p0 $0x108  }
0x21: {  	s3 =	sadd.s32 s3, s9;
	s6 =	sadd.s32 @!p0 $0x88, s6;
	s7 =	simm.s32 @p2 $0x1082  }
0x22: {  	[simem:s7], [sflag:s8] =	dma.local @!p0 [hbm:s6], $0xF7A  }
0x23: {  	s9 =	sor.u32 $0xD0000000, s2;
	s6 =	simm.s32 $0x108;
	_ =	swait.ge @!p0 [sflag:s8], $0x0  }
0x24: {  	s3 =	sadd.s32 $0x88, s3;
	s6 =	simm.s32 @!p1 $0x1082;
	[sflag:s4] =	ssyncset.s32 $0xFFFFF086  }
0x25: {  	[simem:s6], [sflag:s4] =	dma.local [hbm:s3], $0xF7A  }
0x26: {  	[smem:$0x3F9D] =	sst s1;
	(tag) =	ssettag s2;
	_ =	strace s9  }
0x27: {  	s1 =	sld [smem:$0x3FAD]  }
0x28: {  	s2 =	sld [smem:$0x3FAE]  }
0x29: {  	s4 =	sld [smem:$0x3FB0]  }
0x2a: {  	p0 =	seq.s32 s5, $0x0;
	s5 =	sld [smem:$0x3FB1]  }
0x2b: {  	s6 =	sld [smem:$0x3FB2]  }
0x2c: {  	s7 =	sld [smem:$0x3FB3]  }
0x2d: {  	s3 =	simm.s32 $0x108;
	s8 =	sld [smem:$0x3FB4]  }
0x2e: {  	s3 =	simm.s32 @!p0 $0x1082;
	s9 =	sld [smem:$0x3FB5]  }
0x2f: {  	lr =	sadd.s32 s0, s3;
	s0 =	sld [smem:$0x3FAC]  }
0x30: {  	s3 =	sld [smem:$0x3FAF]  }
0x31: {  	[smem:$0x3FB8] =	sst s10  }
0x32: {  	s10 =	sld [smem:$0x3FB6];
	_ =	sdelay $0x3  }
0x33: {  	p0 =	seq.s32 s10, $0x1;
	s10 =	sld [smem:$0x3FB8];
	_ =	sdelay $0x3  }
0x34: {  	[smem:$0x3FB8] =	sst s10  }
0x35: {  	s10 =	sld [smem:$0x3FB7];
	_ =	sdelay $0x3  }
0x36: {  	p1 =	seq.s32 s10, $0x1;
	s10 =	sld [smem:$0x3FB8];
	_ =	sdelay $0x3  }
0x37: {  	[smem:$0x3FB8] =	sst s10  }
0x38: {  	s10 =	sld [smem:$0x3FB9]  }
0x39: {  	_ = 	snop;
	(pc) =	sbr.ind lr, $3  }
0x3a: {  	_ = 	snop  }
0x3b: {  	_ = 	snop  }
0x3c: {  	p2 =	seq.s32 s10, $0x1;
	s10 =	sld [smem:$0x3FB8]  }
0x3d: {  	_ =	shalt  }
0x3e: {  	_ =	shalt  }
0x3f: {  	_ =	shalt  }
0x40: {  	_ =	shalt  }
0x41: {  	_ =	shalt  }
0x42: {  	_ =	shalt  }
0x43: {  	_ =	shalt  }
0x44: {  	_ =	shalt  }
0x45: {  	_ =	shalt  }
0x46: {  	_ =	shalt  }
0x47: {  	_ =	shalt  }
0x48: {  	_ =	shalt  }
0x49: {  	_ =	shalt  }
0x4a: {  	_ =	shalt  }
0x4b: {  	_ =	shalt  }
0x4c: {  	_ =	shalt  }
0x4d: {  	_ =	shalt  }
0x4e: {  	_ =	shalt  }
0x4f: {  	_ =	shalt  }
0x50: {  	_ =	shalt  }
0x51: {  	_ =	shalt  }
0x52: {  	_ =	shalt  }
0x53: {  	_ =	shalt  }
0x54: {  	_ =	shalt  }
0x55: {  	_ =	shalt  }
0x56: {  	_ =	shalt  }
0x57: {  	_ =	shalt  }
0x58: {  	_ =	shalt  }
0x59: {  	_ =	shalt  }
0x5a: {  	_ =	shalt  }
0x5b: {  	_ =	shalt  }
0x5c: {  	_ =	shalt  }
0x5d: {  	_ =	shalt  }
0x5e: {  	_ =	shalt  }
0x5f: {  	_ =	shalt  }
0x60: {  	_ =	shalt  }
0x61: {  	_ =	shalt  }
0x62: {  	_ =	shalt  }
0x63: {  	_ =	shalt  }
0x64: {  	_ =	shalt  }
0x65: {  	_ =	shalt  }
0x66: {  	_ =	shalt  }
0x67: {  	_ =	shalt  }
0x68: {  	_ =	shalt  }
0x69: {  	_ =	shalt  }
0x6a: {  	_ =	shalt  }
0x6b: {  	_ =	shalt  }
0x6c: {  	_ =	shalt  }
0x6d: {  	_ =	shalt  }
0x6e: {  	_ =	shalt  }
0x6f: {  	_ =	shalt  }
0x70: {  	_ =	shalt  }
0x71: {  	_ =	shalt  }
0x72: {  	_ =	shalt  }
0x73: {  	_ =	shalt  }
0x74: {  	_ =	shalt  }
0x75: {  	_ =	shalt  }
0x76: {  	_ =	shalt  }
0x77: {  	_ =	shalt  }
0x78: {  	_ =	shalt  }
0x79: {  	_ =	shalt  }
0x7a: {  	_ =	shalt  }
0x7b: {  	_ =	shalt  }
0x7c: {  	_ =	shalt  }
0x7d: {  	_ =	shalt  }
0x7e: {  	_ =	shalt  }
0x7f: {  	_ =	shalt  }
0x80: {  	_ =	shalt  }
0x81: {  	_ =	shalt  }
0x82: {  	_ =	shalt  }
0x83: {  	_ =	shalt  }
0x84: {  	_ =	shalt  }
0x85: {  	_ =	shalt  }
0x86: {  	_ =	shalt  }
0x87: {  	_ =	shalt  }
.Lfunc_end0:
.L_simem_size_0:
called_computation_lowered:
.L_overlay_start_0:
0x88: {  	s2 =	sld [smem:$0x3FD9]  }
0x89: {  	s3 =	sld [smem:$0x3FFE];
	_ =	sdelay $0x1  }
0x8a: {  	s1 =	srdreg.scid  }
0x8b: {  	s0 =	sand.u32 $0x1, s1  }
0x8c: {  	s17 =	sshll.u32 s0, $0xA;
	s2 =	sadd.s32 s3, s2  }
0x8d: {  	s2 =	sadd.s32 s2, s17  }
0x8e: {  	[smem:$0x3FC4] =	sst s2  }
0x8f: {  	_ = 	snop  }
0x90: {  	s2 =	sld [smem:$0x3FC9]  }
0x91: {  	s18 =	sld [smem:$0x3FC8]  }
0x92: {  	s4 =	sld [smem:$0x3FD0];
	(tm) =	ssettm $0x1  }
0x93: {  	s5 =	sld [smem:$0x3FFB];
	_ =	sdelay $0x3  }
0x94: {  	_ =	strace s5  }
0x95: {  	s5 =	sld [smem:$0x3FFC];
	_ =	sdelay $0x3  }
0x96: {  	_ =	strace s5  }
0x97: {  	s5 =	sld [smem:$0x3FFD];
	_ =	sdelay $0x3  }
0x98: {  	_ =	strace s5  }
0x99: {  	_ =	strace $0x8FFFFFFF  }
0x9a: {  	s19 =	sld [smem:$0x3FDB];
	_ =	sdelay $0x1  }
0x9b: {  	s6 =	simm.s32 $_scs_section_size  }
0x9c: {  	s7 =	simm.s32 $_size__tile_overlayer_lowered;
	s8 =	simm.s32 $_tile_overlayer_lowered  }
0x9d: {  	s22 =	simm.s32 $0x1BFF;
	s21 =	sshll.u32 s8, $0x1;
	s5 =	sadd.s32 s6, s19  }
0x9e: {  	s9 =	simm.s32 $0x0;
	s20 =	sshll.u32 s7, $0x1;
	s7 =	sadd.s32 s21, s5  }
0x9f: {  	[timem:s9], [sflag:s22] =	dma.local [hbm:s7], s20  }
0xa0: {  	_ =	swait.ge [sflag:s22], s20  }
0xa1: {  	s6 =	ssub.s32 $0x0, s20;
	[sflag:s22] =	ssyncset.done $0x0  }
0xa2: {  	[sflag:s22] =	ssyncadd.s32 s6;
	_ =	sdelay $0x1  }
0xa3: {  	s23 =	simm.s32 $0x1B8B  }
0xa4: {  	_ =	swait.ge [sflag:s23], $0x1  }
0xa5: {  	[sflag:s23] =	ssyncset.done $0x0  }
0xa6: {  	s25 =	simm.s32 $0x1B8E;
	s24 =	sld [smem:$0x3FFE];
	[sflag:s23] =	ssyncadd.s32 $0xFFFFFFFF  }
0xa7: {  	s26 =	simm.s32 $execute0_lowered;
	[smem:$0x3FD2] =	sst s25  }
0xa8: {  	s7 =	sshll.u32 s26, $0x1;
	_ =	strace $0x80000046;
	[dreg:$0x1] =	wrdreg $0xFFFFFFFF  }
0xa9: {  	s28 =	simm.s32 $_size_execute0_lowered;
	s5 =	sadd.s32 s5, s7;
	[dreg:$0x0] =	wrdreg $0x0  }
0xaa: {  	s7 =	sshll.u32 s28, $0x1;
	[dreg:$0x2] =	wrdreg s5  }
0xab: {  	[dreg:$0x3] =	wrdreg s7  }
0xac: {  	[dreg:$0x4] =	wrdreg $0xC0  }
0xad: {  	_ =	task [dreg:s9], $0x5FFFF  }
0xae: {  	[dreg:$0x1] =	wrdreg $0xFFFFFFFF  }
0xaf: {  	[dreg:$0x0] =	wrdreg $0x60  }
0xb0: {  	[dreg:$0x2] =	wrdreg s2  }
0xb1: {  	[dreg:$0x3] =	wrdreg s18  }
0xb2: {  	[dreg:$0x4] =	wrdreg s24  }
0xb3: {  	[dreg:$0x5] =	wrdreg s4  }
0xb4: {  	[dreg:$0x6] =	wrdreg $0xE000  }
0xb5: {  	[dreg:$0x7] =	wrdreg $0x9  }
0xb6: {  	_ =	task.clear_ibuf [dreg:s9], $0x8FFFF;
	_ =	strace $0x90000046  }
0xb7: {  	s29 =	simm.s32 $0x9;
	_ =	strace $0x80000048  }
0xb8: {  	_ =	swait.ge [sflag:s29], $0x1  }
0xb9: {  	[sflag:s29] =	ssyncadd.s32 $0xFFFFFFFF  }
0xba: {  	_ =	strace $0x90000048  }
0xbb: {  	_ =	sfence  }
0xbc: {  	s30 =	sld [smem:$0x0];
	_ =	sdelay $0x2  }
0xbd: {  	s31 =	sshll.u32 s1, $0xD;
	s1 =	sshrl.u32 s1, $0x2  }
0xbe: {  	s3 =	sand.u32 $0x4000, s31;
	s1 =	sadd.s32 s1, s30  }
0xbf: {  	s0 =	sor.u32 s3, s0;
	s1 =	sshll.u32 s1, $0x11  }
0xc0: {  	s0 =	sor.u32 s1, s0  }
0xc1: {  	s0 =	sadd.s32 $0x8F2B, s0  }
0xc2: {  	[sflag:s0] =	ssyncadd.remote.s32 $0x1  }
0xc3: {  	_ =	sfence.sel $0xFFFF  }
0xc4: {  	[dreg:$0x0] =	wrdreg $0xFFFFFFFF;
	(pc) =	sbr.abs _section_cstart, $3  }
0xc5: {  	[dreg:$0x1] =	wrdreg $0xFFFFFFFF  }
0xc6: {  	_ =	task.clear_ibuf [dreg:s9], $0x2FFFF;
	_ =	strace $0x9FFFFFFF  }
0xc7: {  	(tm) =	ssettm $0x7FFFFFFF  }
tec
execute0_lowered:
.L_overlay_start_1:
0x0: {  	(tag) =	ssettag $0x1  }
0x1: {  	s5 =	rddreg [dreg:$0x0]  }
0x2: {  	s7 =	rddreg [dreg:$0x1]  }
0x3: {  	s4 =	rddreg [dreg:$0x2]  }
0x4: {  	s6 =	rddreg [dreg:$0x3]  }
0x5: {  	s1 =	rddreg [dreg:$0x4]  }
0x6: {  	s0 =	rddreg [dreg:$0x5]  }
0x7: {  	s2 =	simm.s32 $0x0;
	s3 =	srdreg.scid;
	s12 =	stileid.u32  }
0x8: {  	s15 =	simm.s32 $0x3;
	s16 =	simm.s32 $0x80;
	s17 =	simm.s32 $0xC00  }
0x9: {  	s18 =	simm.s32 $0xE60;
	s19 =	simm.s32 $0xC80;
	s20 =	simm.s32 $0x4E60  }
0xa: {  	s21 =	simm.s32 $0xD00;
	s22 =	simm.s32 $0x8E60;
	s23 =	simm.s32 $0xD80  }
0xb: {  	s24 =	simm.s32 $0xCE60;
	s25 =	simm.s32 $0x1;
	s26 =	simm.s32 $0x2  }
0xc: {  	[smem:$0x7FF] =	sst s2;
	s8 =	sand.u32 $0x1, s3;
	s3 =	sadd.s32 $0x400, s4  }
0xd: {  	s9 =	sshll.u32 s12, $0xA;
	s4 =	sadd.s32 $0x600, s4;
	p0 =	sne.s32 s12, $0x0  }
0xe: {  	s12 =	simm.s32 $0x200;
	_ =	strace $0x80000047;
	s10 =	sshll.u32 s8, $0x9  }
0xf: {  	s8 =	ssub.s32 $0x2, s8;
	s14 =	sshrl.u32 @!p0 s1, $0x3;
	s9 =	sor.u32 s10, s9  }
0x10: {  	s31 =	sshrl.u32 s8, $0x1;
	s11 =	sshrl.u32 s9, $0x3;
	s9 =	sshll.u32 s9, $0x4  }
0x11: {  	s13 =	ssub.s32 s8, s31;
	s5 =	sadd.s32 s5, s11;
	s6 =	sadd.s32 s6, s9  }
0x12: {  	s7 =	sadd.s32 s7, s11;
	s11 =	smax.u32 s13, $0x1;
	s13 =	simm.s32 $0x400  }
0x13: {  	s8 =	sadd.s32 $0x800, s6;
	s9 =	sadd.s32 $0x1000, s6;
	s10 =	sadd.s32 $0x1800, s6  }
.LBB2_1:
0x14: {  	[tilespmem:s2], [sflag:$0x3] =	stream.linear.gather [hbm4b:s5+s2], $0x200, $0x38;
	[tilespmem:$0x10E60] =	vst v63  }
0x15: {  	_ = 	snop  }
0x16: {  	[tilespmem:s12], [sflag:$0x3] =	stream.linear.gather [hbm4b:s7+s2], $0x200, $0x38;
	[tilespmem:$0x10E60] =	vst v63  }
0x17: {  	s28 =	simm.s32 @!p0 $0x1C04  }
0x18: {  	[tilespmem:s13], [sflag:$0x3] =	stream.linear.gather [hbm4b:s4+s2], $0x500, $0x38;
	[tilespmem:$0x10E60] =	vst v63  }
0x19: {  	[spmem:s14], [sflag:s28] =	dma.local @!p0 [hbm:s3], $0xC0  }
0x1a: {  	s28 =	simm.s32 @!p0 $0x4  }
0x1b: {  	_ =	swait.ge @!p0 [sflag:s28], $0xC0  }
0x1c: {  	[sflag:s28] =	ssyncset.done @!p0 $0x0  }
0x1d: {  	[sflag:s28] =	ssyncadd.s32 @!p0 $0xFFFFFF40  }
0x1e: {  	_ =	swait.ge [sflag:s15], $0x200  }
0x1f: {  	[sflag:s15] =	ssyncset.done $0x0  }
0x20: {  	[sflag:s15] =	ssyncadd.s32 $0xFFFFFE00  }
0x21: {  	_ =	swait.ge [sflag:s15], $0x200  }
0x22: {  	[sflag:s15] =	ssyncset.done $0x0  }
0x23: {  	[sflag:s15] =	ssyncadd.s32 $0xFFFFFE00  }
0x24: {  	_ =	swait.ge [sflag:s15], $0x500  }
0x25: {  	[sflag:s15] =	ssyncset.done $0x0  }
0x26: {  	[sflag:s15] =	ssyncadd.s32 $0xFFFFFB00  }
0x27: {  	v0 =	vld [tilespmem:$0x0]  }
0x28: {  	v1 =	vld [tilespmem:$0x200];
	_ =	sdelay $0x4  }
0x29: {  	v3 =	vld [tilespmem:$0x10];
	v2 =	vand.u32 $0xFFFFFF80, v1;
	v0 =	vshll.u32 v0, $0x7  }
0x2a: {  	v16 =	vld [tilespmem:$0x210];
	v1 =	vand.u32 $0x7F, v1;
	v0 =	vadd.s32 v0, v2  }
0x2b: {  	v0 =	vor.u32 v1, v0;
	_ =	sdelay $0x2  }
0x2c: {  	v18 =	vld [tilespmem:$0x20]  }
0x2d: {  	v19 =	vld [tilespmem:$0x220];
	v17 =	vand.u32 $0xFFFFFF80, v16;
	v3 =	vshll.u32 v3, $0x7  }
0x2e: {  	v2 =	vand.u32 $0x7F, v16;
	v1 =	vadd.s32 v3, v17;
	v0 =	vld.idx.msk [tilespmem:v0+s13+$0x0], $0xffff  }
0x2f: {  	v1 =	vor.u32 v2, v1;
	_ =	sdelay $0x2  }
0x30: {  	v4 =	vld [tilespmem:$0x30]  }
0x31: {  	v21 =	vld [tilespmem:$0x230];
	v20 =	vand.u32 $0xFFFFFF80, v19;
	v2 =	vshll.u32 v18, $0x7;
	[tilespmem:$0xC00] =	vst v0  }
0x32: {  	v3 =	vand.u32 $0x7F, v19;
	v0 =	vld.idx.msk [tilespmem:v1+s13+$0x0], $0xffff;
	v1 =	vadd.s32 v2, v20  }
0x33: {  	v1 =	vor.u32 v3, v1;
	_ =	sdelay $0x2  }
0x34: {  	v24 =	vld [tilespmem:$0x40]  }
0x35: {  	v25 =	vld [tilespmem:$0x240];
	v22 =	vand.u32 $0xFFFFFF80, v21;
	v23 =	vshll.u32 v4, $0x7;
	[tilespmem:$0xC10] =	vst v0  }
0x36: {  	v2 =	vand.u32 $0x7F, v21;
	v0 =	vadd.s32 v23, v22;
	v1 =	vld.idx.msk [tilespmem:v1+s13+$0x0], $0xffff  }
0x37: {  	v0 =	vor.u32 v2, v0;
	_ =	sdelay $0x2  }
0x38: {  	v27 =	vld [tilespmem:$0x50]  }
0x39: {  	v28 =	vld [tilespmem:$0x250];
	v26 =	vand.u32 $0xFFFFFF80, v25;
	v2 =	vshll.u32 v24, $0x7;
	[tilespmem:$0xC20] =	vst v1  }
0x3a: {  	v3 =	vand.u32 $0x7F, v25;
	v1 =	vadd.s32 v2, v26;
	v0 =	vld.idx.msk [tilespmem:v0+s13+$0x0], $0xffff  }
0x3b: {  	v1 =	vor.u32 v3, v1;
	_ =	sdelay $0x2  }
0x3c: {  	v31 =	vld [tilespmem:$0x60]  }
0x3d: {  	v32 =	vld [tilespmem:$0x260];
	v29 =	vand.u32 $0xFFFFFF80, v28;
	v30 =	vshll.u32 v27, $0x7;
	[tilespmem:$0xC30] =	vst v0  }
0x3e: {  	v2 =	vand.u32 $0x7F, v28;
	v0 =	vadd.s32 v30, v29;
	v1 =	vld.idx.msk [tilespmem:v1+s13+$0x0], $0xffff  }
0x3f: {  	v0 =	vor.u32 v2, v0;
	_ =	sdelay $0x2  }
0x40: {  	v34 =	vld [tilespmem:$0x70]  }
0x41: {  	v35 =	vld [tilespmem:$0x270];
	v33 =	vand.u32 $0xFFFFFF80, v32;
	v2 =	vshll.u32 v31, $0x7;
	[tilespmem:$0xC40] =	vst v1  }
0x42: {  	v3 =	vand.u32 $0x7F, v32;
	v1 =	vadd.s32 v2, v33;
	v0 =	vld.idx.msk [tilespmem:v0+s13+$0x0], $0xffff  }
0x43: {  	v1 =	vor.u32 v3, v1;
	_ =	sdelay $0x2  }
0x44: {  	v38 =	vld [tilespmem:$0x80]  }
0x45: {  	v39 =	vld [tilespmem:$0x280];
	v36 =	vand.u32 $0xFFFFFF80, v35;
	v37 =	vshll.u32 v34, $0x7;
	[tilespmem:$0xC50] =	vst v0  }
0x46: {  	v2 =	vand.u32 $0x7F, v35;
	v0 =	vadd.s32 v37, v36;
	v1 =	vld.idx.msk [tilespmem:v1+s13+$0x0], $0xffff  }
0x47: {  	v0 =	vor.u32 v2, v0;
	_ =	sdelay $0x2  }
0x48: {  	v41 =	vld [tilespmem:$0x90]  }
0x49: {  	v42 =	vld [tilespmem:$0x290];
	v40 =	vand.u32 $0xFFFFFF80, v39;
	v2 =	vshll.u32 v38, $0x7;
	[tilespmem:$0xC60] =	vst v1  }
0x4a: {  	v3 =	vand.u32 $0x7F, v39;
	v1 =	vadd.s32 v2, v40;
	v0 =	vld.idx.msk [tilespmem:v0+s13+$0x0], $0xffff  }
0x4b: {  	v1 =	vor.u32 v3, v1;
	_ =	sdelay $0x2  }
0x4c: {  	v45 =	vld [tilespmem:$0xA0]  }
0x4d: {  	v46 =	vld [tilespmem:$0x2A0];
	v43 =	vand.u32 $0xFFFFFF80, v42;
	v44 =	vshll.u32 v41, $0x7;
	[tilespmem:$0xC70] =	vst v0  }
0x4e: {  	v2 =	vand.u32 $0x7F, v42;
	v0 =	vadd.s32 v44, v43;
	v1 =	vld.idx.msk [tilespmem:v1+s13+$0x0], $0xffff  }
0x4f: {  	v0 =	vor.u32 v2, v0;
	_ =	sdelay $0x2  }
0x50: {  	v48 =	vld [tilespmem:$0xB0]  }
0x51: {  	v49 =	vld [tilespmem:$0x2B0];
	v47 =	vand.u32 $0xFFFFFF80, v46;
	v2 =	vshll.u32 v45, $0x7;
	[tilespmem:$0xC80] =	vst v1  }
0x52: {  	v3 =	vand.u32 $0x7F, v46;
	v1 =	vadd.s32 v2, v47;
	v0 =	vld.idx.msk [tilespmem:v0+s13+$0x0], $0xffff  }
0x53: {  	v1 =	vor.u32 v3, v1;
	_ =	sdelay $0x2  }
0x54: {  	v52 =	vld [tilespmem:$0xC0]  }
0x55: {  	v53 =	vld [tilespmem:$0x2C0];
	v50 =	vand.u32 $0xFFFFFF80, v49;
	v51 =	vshll.u32 v48, $0x7;
	[tilespmem:$0xC90] =	vst v0  }
0x56: {  	v2 =	vand.u32 $0x7F, v49;
	v0 =	vadd.s32 v51, v50;
	v1 =	vld.idx.msk [tilespmem:v1+s13+$0x0], $0xffff  }
0x57: {  	v0 =	vor.u32 v2, v0;
	_ =	sdelay $0x2  }
0x58: {  	v55 =	vld [tilespmem:$0xD0]  }
0x59: {  	v56 =	vld [tilespmem:$0x2D0];
	v54 =	vand.u32 $0xFFFFFF80, v53;
	v2 =	vshll.u32 v52, $0x7;
	[tilespmem:$0xCA0] =	vst v1  }
0x5a: {  	v3 =	vand.u32 $0x7F, v53;
	v1 =	vadd.s32 v2, v54;
	v0 =	vld.idx.msk [tilespmem:v0+s13+$0x0], $0xffff  }
0x5b: {  	v1 =	vor.u32 v3, v1;
	_ =	sdelay $0x2  }
0x5c: {  	v59 =	vld [tilespmem:$0xE0]  }
0x5d: {  	v60 =	vld [tilespmem:$0x2E0];
	v57 =	vand.u32 $0xFFFFFF80, v56;
	v58 =	vshll.u32 v55, $0x7;
	[tilespmem:$0xCB0] =	vst v0  }
0x5e: {  	v2 =	vand.u32 $0x7F, v56;
	v0 =	vadd.s32 v58, v57;
	v1 =	vld.idx.msk [tilespmem:v1+s13+$0x0], $0xffff  }
0x5f: {  	v0 =	vor.u32 v2, v0;
	_ =	sdelay $0x2  }
0x60: {  	v62 =	vld [tilespmem:$0xF0]  }
0x61: {  	v63 =	vld [tilespmem:$0x2F0];
	v61 =	vand.u32 $0xFFFFFF80, v60;
	v2 =	vshll.u32 v59, $0x7;
	[tilespmem:$0xCC0] =	vst v1  }
0x62: {  	v3 =	vand.u32 $0x7F, v60;
	v1 =	vadd.s32 v2, v61;
	v0 =	vld.idx.msk [tilespmem:v0+s13+$0x0], $0xffff  }
0x63: {  	v1 =	vor.u32 v3, v1;
	_ =	sdelay $0x2  }
0x64: {  	v8 =	vld [tilespmem:$0x100]  }
0x65: {  	v9 =	vld [tilespmem:$0x300];
	v6 =	vand.u32 $0xFFFFFF80, v63;
	v7 =	vshll.u32 v62, $0x7;
	[tilespmem:$0xCD0] =	vst v0  }
0x66: {  	v2 =	vand.u32 $0x7F, v63;
	v0 =	vadd.s32 v7, v6;
	v1 =	vld.idx.msk [tilespmem:v1+s13+$0x0], $0xffff  }
0x67: {  	v0 =	vor.u32 v2, v0;
	_ =	sdelay $0x2  }
0x68: {  	v11 =	vld [tilespmem:$0x110]  }
0x69: {  	v12 =	vld [tilespmem:$0x310];
	v10 =	vand.u32 $0xFFFFFF80, v9;
	v2 =	vshll.u32 v8, $0x7;
	[tilespmem:$0xCE0] =	vst v1  }
0x6a: {  	v3 =	vand.u32 $0x7F, v9;
	v1 =	vadd.s32 v2, v10;
	v0 =	vld.idx.msk [tilespmem:v0+s13+$0x0], $0xffff  }
0x6b: {  	v1 =	vor.u32 v3, v1;
	_ =	sdelay $0x2  }
0x6c: {  	v15 =	vld [tilespmem:$0x120]  }
0x6d: {  	v13 =	vand.u32 $0xFFFFFF80, v12;
	v14 =	vshll.u32 v11, $0x7;
	v16 =	vld [tilespmem:$0x320];
	[tilespmem:$0xCF0] =	vst v0  }
0x6e: {  	v2 =	vand.u32 $0x7F, v12;
	v0 =	vadd.s32 v14, v13;
	v1 =	vld.idx.msk [tilespmem:v1+s13+$0x0], $0xffff  }
0x6f: {  	v0 =	vor.u32 v2, v0;
	_ =	sdelay $0x2  }
0x70: {  	v19 =	vld [tilespmem:$0x330]  }
0x71: {  	v18 =	vld [tilespmem:$0x130];
	v17 =	vand.u32 $0xFFFFFF80, v16;
	v2 =	vshll.u32 v15, $0x7;
	[tilespmem:$0xD00] =	vst v1  }
0x72: {  	v3 =	vand.u32 $0x7F, v16;
	v1 =	vadd.s32 v2, v17;
	v0 =	vld.idx.msk [tilespmem:v0+s13+$0x0], $0xffff  }
0x73: {  	v1 =	vor.u32 v3, v1;
	_ =	sdelay $0x2  }
0x74: {  	v22 =	vld [tilespmem:$0x140]  }
0x75: {  	v20 =	vand.u32 $0xFFFFFF80, v19;
	v21 =	vshll.u32 v18, $0x7;
	v23 =	vld [tilespmem:$0x340];
	[tilespmem:$0xD10] =	vst v0  }
0x76: {  	v2 =	vand.u32 $0x7F, v19;
	v0 =	vadd.s32 v21, v20;
	v1 =	vld.idx.msk [tilespmem:v1+s13+$0x0], $0xffff  }
0x77: {  	v0 =	vor.u32 v2, v0;
	_ =	sdelay $0x2  }
0x78: {  	v25 =	vld [tilespmem:$0x150]  }
0x79: {  	v24 =	vand.u32 $0xFFFFFF80, v23;
	v26 =	vld [tilespmem:$0x350];
	v2 =	vshll.u32 v22, $0x7;
	[tilespmem:$0xD20] =	vst v1  }
0x7a: {  	v3 =	vand.u32 $0x7F, v23;
	v1 =	vadd.s32 v2, v24;
	v0 =	vld.idx.msk [tilespmem:v0+s13+$0x0], $0xffff  }
0x7b: {  	v1 =	vor.u32 v3, v1;
	_ =	sdelay $0x2  }
0x7c: {  	v29 =	vld [tilespmem:$0x160]  }
0x7d: {  	v28 =	vshll.u32 v25, $0x7;
	v27 =	vand.u32 $0xFFFFFF80, v26;
	v30 =	vld [tilespmem:$0x360];
	[tilespmem:$0xD30] =	vst v0  }
0x7e: {  	v2 =	vand.u32 $0x7F, v26;
	v0 =	vadd.s32 v28, v27;
	v1 =	vld.idx.msk [tilespmem:v1+s13+$0x0], $0xffff  }
0x7f: {  	v0 =	vor.u32 v2, v0;
	_ =	sdelay $0x2  }
0x80: {  	v32 =	vld [tilespmem:$0x170]  }
0x81: {  	v31 =	vand.u32 $0xFFFFFF80, v30;
	v33 =	vld [tilespmem:$0x370];
	v2 =	vshll.u32 v29, $0x7;
	[tilespmem:$0xD40] =	vst v1  }
0x82: {  	v3 =	vand.u32 $0x7F, v30;
	v1 =	vadd.s32 v2, v31;
	v0 =	vld.idx.msk [tilespmem:v0+s13+$0x0], $0xffff  }
0x83: {  	v1 =	vor.u32 v3, v1;
	_ =	sdelay $0x2  }
0x84: {  	v36 =	vld [tilespmem:$0x180]  }
0x85: {  	v35 =	vshll.u32 v32, $0x7;
	v34 =	vand.u32 $0xFFFFFF80, v33;
	v37 =	vld [tilespmem:$0x380];
	[tilespmem:$0xD50] =	vst v0  }
0x86: {  	v2 =	vand.u32 $0x7F, v33;
	v0 =	vadd.s32 v35, v34;
	v1 =	vld.idx.msk [tilespmem:v1+s13+$0x0], $0xffff  }
0x87: {  	v0 =	vor.u32 v2, v0;
	_ =	sdelay $0x2  }
0x88: {  	v39 =	vld [tilespmem:$0x190]  }
0x89: {  	v38 =	vand.u32 $0xFFFFFF80, v37;
	v40 =	vld [tilespmem:$0x390];
	v2 =	vshll.u32 v36, $0x7;
	[tilespmem:$0xD60] =	vst v1  }
0x8a: {  	v3 =	vand.u32 $0x7F, v37;
	v1 =	vadd.s32 v2, v38;
	v0 =	vld.idx.msk [tilespmem:v0+s13+$0x0], $0xffff  }
0x8b: {  	v1 =	vor.u32 v3, v1;
	_ =	sdelay $0x2  }
0x8c: {  	v43 =	vld [tilespmem:$0x1A0]  }
0x8d: {  	v42 =	vshll.u32 v39, $0x7;
	v41 =	vand.u32 $0xFFFFFF80, v40;
	v44 =	vld [tilespmem:$0x3A0];
	[tilespmem:$0xD70] =	vst v0  }
0x8e: {  	v2 =	vand.u32 $0x7F, v40;
	v0 =	vadd.s32 v42, v41;
	v1 =	vld.idx.msk [tilespmem:v1+s13+$0x0], $0xffff  }
0x8f: {  	v0 =	vor.u32 v2, v0;
	_ =	sdelay $0x2  }
0x90: {  	v46 =	vld [tilespmem:$0x1B0]  }
0x91: {  	v45 =	vand.u32 $0xFFFFFF80, v44;
	v47 =	vld [tilespmem:$0x3B0];
	v2 =	vshll.u32 v43, $0x7;
	[tilespmem:$0xD80] =	vst v1  }
0x92: {  	v3 =	vand.u32 $0x7F, v44;
	v1 =	vadd.s32 v2, v45;
	v0 =	vld.idx.msk [tilespmem:v0+s13+$0x0], $0xffff  }
0x93: {  	v1 =	vor.u32 v3, v1;
	_ =	sdelay $0x2  }
0x94: {  	v50 =	vld [tilespmem:$0x1C0]  }
0x95: {  	v49 =	vshll.u32 v46, $0x7;
	v48 =	vand.u32 $0xFFFFFF80, v47;
	v51 =	vld [tilespmem:$0x3C0];
	[tilespmem:$0xD90] =	vst v0  }
0x96: {  	v2 =	vand.u32 $0x7F, v47;
	v0 =	vadd.s32 v49, v48;
	v1 =	vld.idx.msk [tilespmem:v1+s13+$0x0], $0xffff  }
0x97: {  	v0 =	vor.u32 v2, v0;
	_ =	sdelay $0x2  }
0x98: {  	v53 =	vld [tilespmem:$0x1D0]  }
0x99: {  	v52 =	vand.u32 $0xFFFFFF80, v51;
	v54 =	vld [tilespmem:$0x3D0];
	v2 =	vshll.u32 v50, $0x7;
	[tilespmem:$0xDA0] =	vst v1  }
0x9a: {  	v3 =	vand.u32 $0x7F, v51;
	v1 =	vadd.s32 v2, v52;
	v0 =	vld.idx.msk [tilespmem:v0+s13+$0x0], $0xffff  }
0x9b: {  	v1 =	vor.u32 v3, v1;
	_ =	sdelay $0x2  }
0x9c: {  	v57 =	vld [tilespmem:$0x1E0]  }
0x9d: {  	v56 =	vshll.u32 v53, $0x7;
	v55 =	vand.u32 $0xFFFFFF80, v54;
	v58 =	vld [tilespmem:$0x3E0];
	[tilespmem:$0xDB0] =	vst v0  }
0x9e: {  	v2 =	vand.u32 $0x7F, v54;
	v0 =	vadd.s32 v56, v55;
	v1 =	vld.idx.msk [tilespmem:v1+s13+$0x0], $0xffff  }
0x9f: {  	v0 =	vor.u32 v2, v0;
	_ =	sdelay $0x2  }
0xa0: {  	v60 =	vld [tilespmem:$0x1F0]  }
0xa1: {  	v59 =	vand.u32 $0xFFFFFF80, v58;
	v61 =	vld [tilespmem:$0x3F0];
	v2 =	vshll.u32 v57, $0x7;
	[tilespmem:$0xDC0] =	vst v1  }
0xa2: {  	v3 =	vand.u32 $0x7F, v58;
	v1 =	vadd.s32 v2, v59;
	v0 =	vld.idx.msk [tilespmem:v0+s13+$0x0], $0xffff  }
0xa3: {  	v1 =	vor.u32 v3, v1;
	_ =	sdelay $0x3  }
0xa4: {  	v63 =	vshll.u32 v60, $0x7;
	v62 =	vand.u32 $0xFFFFFF80, v61;
	[tilespmem:$0xDD0] =	vst v0  }
0xa5: {  	v2 =	vand.u32 $0x7F, v61;
	v0 =	vadd.s32 v63, v62;
	v1 =	vld.idx.msk [tilespmem:v1+s13+$0x0], $0xffff  }
0xa6: {  	v0 =	vor.u32 v2, v0;
	_ =	sdelay $0x3  }
0xa7: {  	[tilespmem:$0xDE0] =	vst v1  }
0xa8: {  	v0 =	vld.idx.msk [tilespmem:v0+s13+$0x0], $0xffff;
	_ =	sdelay $0x4  }
0xa9: {  	[tilespmem:$0xDF0] =	vst v0  }
0xaa: {  	[bflag:$0x0] =	sbarrier.arrive $0xFFFF  }
0xab: {  	[tilespmem:s18], [sflag:$0x1] =	stream.indirect.gather [spmem:s1], $0x80, s17, s16, $0xb8;
	[tilespmem:$0x10E60] =	vst v63  }
0xac: {  	_ = 	snop  }
0xad: {  	[tilespmem:s20], [sflag:$0x1] =	stream.indirect.gather [spmem:s1], $0x80, s19, s16, $0xb8;
	[tilespmem:$0x10E60] =	vst v63  }
0xae: {  	_ = 	snop  }
0xaf: {  	[tilespmem:s22], [sflag:$0x1] =	stream.indirect.gather [spmem:s1], $0x80, s21, s16, $0xb8;
	[tilespmem:$0x10E60] =	vst v63  }
0xb0: {  	_ = 	snop  }
0xb1: {  	[tilespmem:s24], [sflag:$0x1] =	stream.indirect.gather [spmem:s1], $0x80, s23, s16, $0xb8;
	[tilespmem:$0x10E60] =	vst v63  }
0xb2: {  	_ =	swait.ge [sflag:s25], $0x4000  }
0xb3: {  	[sflag:s25] =	ssyncset.done $0x0  }
0xb4: {  	[sflag:s25] =	ssyncadd.s32 $0xFFFFC000  }
0xb5: {  	[hbm4b:s6+s2] =	stream.linear.scatter [tilespmem:s18], [sflag:$0x2], $0x4000, $0x38;
	[tilespmem:$0x10E60] =	vst v63  }
0xb6: {  	_ =	swait.ge [sflag:s25], $0x4000  }
0xb7: {  	[sflag:s25] =	ssyncset.done $0x0  }
0xb8: {  	[sflag:s25] =	ssyncadd.s32 $0xFFFFC000  }
0xb9: {  	[hbm4b:s8+s2] =	stream.linear.scatter [tilespmem:s20], [sflag:$0x2], $0x4000, $0x38;
	[tilespmem:$0x10E60] =	vst v63  }
0xba: {  	_ =	swait.ge [sflag:s25], $0x4000  }
0xbb: {  	[sflag:s25] =	ssyncset.done $0x0  }
0xbc: {  	[sflag:s25] =	ssyncadd.s32 $0xFFFFC000  }
0xbd: {  	[hbm4b:s9+s2] =	stream.linear.scatter [tilespmem:s22], [sflag:$0x2], $0x4000, $0x38;
	[tilespmem:$0x10E60] =	vst v63  }
0xbe: {  	_ =	swait.ge [sflag:s25], $0x4000  }
0xbf: {  	[sflag:s25] =	ssyncset.done $0x0  }
0xc0: {  	[sflag:s25] =	ssyncadd.s32 $0xFFFFC000  }
0xc1: {  	[hbm4b:s10+s2] =	stream.linear.scatter [tilespmem:s24], [sflag:$0x2], $0x4000, $0x38;
	[tilespmem:$0x10E60] =	vst v63  }
0xc2: {  	_ =	swait.ge [sflag:s26], $0x4000  }
0xc3: {  	[sflag:s26] =	ssyncset.done $0x0  }
0xc4: {  	[sflag:s26] =	ssyncadd.s32 $0xFFFFC000  }
0xc5: {  	_ =	swait.ge [sflag:s26], $0x4000  }
0xc6: {  	[sflag:s26] =	ssyncset.done $0x0  }
0xc7: {  	s11 =	sadd.s32 $0xFFFFFFFF, s11;
	[sflag:s26] =	ssyncadd.s32 $0xFFFFC000  }
0xc8: {  	p1 =	sne.s32 s11, $0x0;
	_ =	swait.ge [sflag:s26], $0x4000  }
.Ltmp0:
0xc9: {  	[sflag:s26] =	ssyncset.done $0x0;
	(pc) =	sbr.rel @p1 .LBB2_1-.Ltmp0, $4  }
0xca: {  	[sflag:s26] =	ssyncadd.s32 $0xFFFFC000  }
0xcb: {  	_ =	swait.ge [sflag:s26], $0x4000  }
0xcc: {  	[sflag:s26] =	ssyncset.done $0x0  }
0xcd: {  	[sflag:s26] =	ssyncadd.s32 $0xFFFFC000  }
0xce: {  	_ =	sfence.sel $0x180000  }
0xcf: {  	[bflag:$0x0] =	sbarrier.arrive $0xFFFF  }
0xd0: {  	_ =	strace $0x90000047  }
0xd1: {  	s0 =	sadd.s32 @!p0 $0x100000, s0;
	[bflag:$0x2] =	sbarrier.arrive $0xFFFF  }
0xd2: {  	[sflag:s0] =	ssyncadd.tile.s32 @!p0 $0x1;
	_ =	shalt  }
.Lfunc_end2:
_tile_overlayer_lowered:
.L_overlay_start_2:
0xd3: {  	(tag) =	ssettag $0x2  }
0xd4: {  	s0 =	rddreg [dreg:$0x0];
	s2 =	stileid.u32  }
0xd5: {  	s1 =	rddreg [dreg:$0x1];
	p0 =	sne.s32 s2, $0x0  }
0xd6: {  	s3 =	rddreg [dreg:$0x2];
	[bflag:$0x3] =	sbarrier.arrive $0xFFFF;
	s2 =	simm.s32 @!p0 $0x1C04  }
0xd7: {  	[timem:s3], [sflag:s2] =	dma.local @!p0 [hbm:s0], s1  }
0xd8: {  	s0 =	simm.s32 @!p0 $0x4  }
0xd9: {  	_ =	swait.ge @!p0 [sflag:s0], s1  }
0xda: {  	s1 =	ssub.s32 @!p0 $0x0, s1;
	[sflag:s0] =	ssyncset.done @!p0 $0x0  }
0xdb: {  	[sflag:s0] =	ssyncadd.s32 @!p0 s1  }
0xdc: {  	[bflag:$0x3] =	sbarrier.arrive $0xFFFF  }
0xdd: {  	_ =	shalt  }

</sc_bundles>
